<compile_context>
chip_gen: v7x
topology: tpu7x:2x2x1
jax: 0.10.2.dev20260603
libtpu: 0.0.44.dev20260713+nightly
codegen_flags: <defaults>
</compile_context>

<pallas_src>
import jax
import jax.numpy as jnp
from jax import lax
from jax.experimental import pallas as pl
from jax.experimental.pallas import tpu as pltpu
from jax.experimental.pallas import tpu_sc as plsc

U_ROWS = 100000
D = 128
B = 64
K_SEL = 15000
TARGET = 1.0
SCALE = 16383.0
QMAX = 32766.0

BLK = 4000
NBLK = U_ROWS // BLK
HBLK = BLK // 2
PACKED = U_ROWS // 2
CHUNK = 2000
NCHUNK = PACKED // CHUNK


def _tc_kernel(xq_ref, w_ref, b_ref, rpw_ref, u_ref, out_ref,
               c_ref, kth_ref, frac_ref, kq_ref, acc_ref):
    p = pl.program_id(0)
    i = pl.program_id(1)

    @pl.when(jnp.logical_and(p == 0, i == 0))
    def _prologue():
        c_ref[...] = lax.dot_general(rpw_ref[...], xq_ref[...],
                                     (((1,), (1,)), ((), ())))

    @pl.when(p == 0)
    def _phase_keys():
        ul = lax.dot_general(u_ref[...], w_ref[...],
                             (((1,), (1,)), ((), ()))) + b_ref[...]
        s = lax.dot_general(ul, c_ref[...], (((1,), (0,)), ((), ())))
        keys = jnp.abs(s - TARGET)
        kq = jnp.minimum(keys * SCALE, QMAX).astype(jnp.int32).astype(jnp.int16)
        kq_ref[pl.ds(i * HBLK, HBLK), :] = jnp.concatenate(
            [kq[0:HBLK], kq[HBLK:BLK]], axis=1)

    @pl.when(jnp.logical_and(p == 0, i == NBLK - 1))
    def _select():
        kk = jnp.float32(K_SEL)
        ones_row = jnp.ones((1, CHUNK), jnp.bfloat16)

        def msum(acc16):
            return lax.dot_general(ones_row, acc16.astype(jnp.bfloat16),
                                   (((1,), (0,)), ((), ())),
                                   preferred_element_type=jnp.float32)

        one16 = jnp.int16(1)
        zero16 = jnp.int16(0)

        def count_lt(cand2):
            acc_ref[...] = jnp.zeros((CHUNK, 128), jnp.int16)

            def chunk_body(c, _):
                blkk = kq_ref[pl.ds(c * CHUNK, CHUNK), :]
                acc_ref[...] += jnp.where(blkk < cand2, one16, zero16)
                return 0
            lax.fori_loop(0, NCHUNK, chunk_body, 0)
            return msum(acc_ref[...])

        def bit_body(t, prefix32):
            cand32 = prefix32 + jnp.left_shift(jnp.int32(1), jnp.int32(14) - t)
            cnt = count_lt(cand32.astype(jnp.int16))
            c64 = cnt[:, 0:B] + cnt[:, B:2 * B]
            cdup = jnp.concatenate([c64, c64], axis=1)
            return jnp.where(cdup >= kk, prefix32, cand32)

        kth32 = lax.fori_loop(0, 15, bit_body, jnp.zeros((1, 128), jnp.int32))
        kth2 = kth32.astype(jnp.int16)
        kth_ref[...] = kth2

        c_lt = count_lt(kth2)

        acc_ref[...] = jnp.zeros((CHUNK, 128), jnp.int16)

        def eq_body(c, _):
            kb = kq_ref[pl.ds(c * CHUNK, CHUNK), :]
            acc_ref[...] += jnp.where(kb == kth2, one16, zero16)
            return 0
        lax.fori_loop(0, NCHUNK, eq_body, 0)
        c_eq = msum(acc_ref[...])
        c_lt64 = c_lt[:, 0:B] + c_lt[:, B:2 * B]
        c_eq64 = c_eq[:, 0:B] + c_eq[:, B:2 * B]
        frac = (kk - c_lt64) / jnp.maximum(c_eq64, 1.0)
        frac_ref[...] = jnp.concatenate([frac, frac], axis=1)
        out_ref[...] = jnp.zeros((D, B), jnp.float32)

    @pl.when(p == 1)
    def _phase_gather_sum():
        kqb = kq_ref[pl.ds(i * HBLK, HBLK), :]
        one16 = jnp.int16(1)
        zero16 = jnp.int16(0)
        wlt = jnp.where(kqb < kth_ref[...], one16, zero16).astype(jnp.float32)
        weq = jnp.where(kqb == kth_ref[...], one16, zero16).astype(jnp.float32)
        wp = wlt + frac_ref[...] * weq
        wt = jnp.concatenate([wp[:, 0:B], wp[:, B:2 * B]], axis=0)
        out_ref[...] += lax.dot_general(u_ref[...], wt,
                                        (((0,), (0,)), ((), ())))


def _tc_select(xq, w, b2, rpw, utable, interpret=False):
    return pl.pallas_call(
        _tc_kernel,
        grid=(2, NBLK),
        in_specs=[
            pl.BlockSpec((B, D), lambda p, i: (0, 0)),
            pl.BlockSpec((D, D), lambda p, i: (0, 0)),
            pl.BlockSpec((1, D), lambda p, i: (0, 0)),
            pl.BlockSpec((D, D), lambda p, i: (0, 0)),
            pl.BlockSpec((BLK, D), lambda p, i: (i, 0)),
        ],
        out_specs=pl.BlockSpec((D, B), lambda p, i: (0, 0)),
        out_shape=jax.ShapeDtypeStruct((D, B), jnp.float32),
        scratch_shapes=[
            pltpu.VMEM((D, B), jnp.float32),
            pltpu.VMEM((1, 128), jnp.int16),
            pltpu.VMEM((1, 128), jnp.float32),
            pltpu.VMEM((PACKED, 128), jnp.int16),
            pltpu.VMEM((CHUNK, 128), jnp.int16),
        ],
        compiler_params=pltpu.CompilerParams(
            dimension_semantics=("arbitrary", "arbitrary"),
        ),
        interpret=interpret,
    )(xq, w, b2, rpw, utable)


def _combine_kernel(vt_ref, w_ref, bcol_ref, g_ref, out_ref):
    h = lax.dot_general(w_ref[...], g_ref[...],
                        (((1,), (0,)), ((), ())))
    prod = vt_ref[...] * (h * jnp.float32(1.0 / K_SEL) + bcol_ref[...])
    out_ref[...] = jnp.sum(prod, axis=0, keepdims=True)


def _tc_combine(vt, w, bcol, g, interpret=False):
    return pl.pallas_call(
        _combine_kernel,
        out_shape=jax.ShapeDtypeStruct((1, B), jnp.float32),
        interpret=interpret,
    )(vt, w, bcol, g)


def _sc_gather(table, idx2):
    mesh = plsc.VectorSubcoreMesh(core_axis_name="core",
                                  subcore_axis_name="subcore")

    @pl.kernel(out_type=jax.ShapeDtypeStruct((2 * B, D), table.dtype),
               mesh=mesh)
    def _gather_kernel(tbl_hbm, i_hbm, o_hbm):
        def body(i_vmem, o_vmem):
            pltpu.sync_copy(tbl_hbm.at[i_vmem.at[0]], o_vmem)

        pltpu.emit_pipeline(
            body,
            grid=(1,),
            in_specs=[pl.BlockSpec((1, 2 * B), index_map=lambda i: (0, i))],
            out_specs=[pl.BlockSpec((2 * B, D), index_map=lambda i: (i, 0))],
            core_axis_name="subcore",
            dimension_semantics=(pltpu.PARALLEL,),
        )(i_hbm, o_hbm)

    return _gather_kernel(table, idx2)


def kernel(x, tgt_uid_table, tgt_iid_table, tgt_W, tgt_b, rp_W):
    iid2 = jnp.zeros((1, 2 * B), jnp.int32).at[0, :B].set(
        x[:, 0].astype(jnp.int32))
    v = _sc_gather(tgt_iid_table, iid2)[:B]
    g = _tc_select(x[:, 1:], tgt_W, tgt_b.reshape(1, D), rp_W, tgt_uid_table)
    out = _tc_combine(v.T, tgt_W, tgt_b.reshape(D, 1), g)
    return out.reshape(B)

# --- scband reference (transcript-rebuilt; emitter-appended) ---
"""Pipeline reference for scband-dnnbased-model-84653805404335 (READ-ONLY COPY).

The authoritative reference and input builder live on the scoring server;
editing this copy changes nothing except your own understanding.
"""

import jax, jax.numpy as jnp
import numpy as np

UID_TGT = 100000
IID_TGT = 100000
EMB_DIM = 128
BATCH = 64
TOPK = 15000
TARGET_LABEL = 1.0


def setup_inputs(seed: int = 0) -> dict:
    key = jax.random.key(seed)
    ks = jax.random.split(key, 6)
    # x: col 0 is the item id (float, cast to int inside forward), cols 1..EMB_DIM are the
    # source-domain rate-prediction vector (the kNN query).
    x = jax.random.uniform(ks[0], (BATCH, 1 + EMB_DIM), dtype=jnp.float32)
    tgt_uid_table = jax.random.normal(ks[1], (UID_TGT, EMB_DIM), dtype=jnp.float32) * 0.02
    tgt_iid_table = jax.random.normal(ks[2], (IID_TGT, EMB_DIM), dtype=jnp.float32) * 0.02
    tgt_W = jax.random.normal(ks[3], (EMB_DIM, EMB_DIM), dtype=jnp.float32) * 0.05
    tgt_b = jnp.zeros((EMB_DIM,), dtype=jnp.float32)
    rp_W = jax.random.normal(ks[4], (EMB_DIM, EMB_DIM), dtype=jnp.float32) * 0.05
    return {
        "x": x,
        "tgt_uid_table": tgt_uid_table,
        "tgt_iid_table": tgt_iid_table,
        "tgt_W": tgt_W,
        "tgt_b": tgt_b,
        "rp_W": rp_W,
    }


def reference(x, tgt_uid_table, tgt_iid_table, tgt_W, tgt_b, rp_W):
    # DNNBasedModel.forward with stage='test_source_free' (the retrieval/kNN-vote path)
    B = x.shape[0]
    iid = x[:, 0].astype(jnp.int32)
    # tgt_model.embedding.iid_embedding(iid.unsqueeze(1)) -> [B, 1, D]
    iid_emb = jnp.take(tgt_iid_table, iid, axis=0)[:, None, :]
    # rp_mapping (no bias)
    src_rate_pre = x[:, 1:EMB_DIM + 1] @ rp_W.T  # [B, D]
    # tgt_model.linear applied to full user table
    user_lin = tgt_uid_table @ tgt_W.T + tgt_b  # [U, D]
    predict_rate = jnp.abs(user_lin @ src_rate_pre.T - TARGET_LABEL)  # [U, B]
    # torch.sort(dim=0) ascending -> take first TOPK row indices per column
    indices = jnp.argsort(predict_rate, axis=0)  # [U, B]
    topk_indices = indices[:TOPK, :].T.reshape(-1)  # [B*TOPK]
    topk_uid_emb = jnp.take(tgt_uid_table, topk_indices, axis=0).reshape(B, TOPK, EMB_DIM)
    voted_rating = jnp.sum((topk_uid_emb @ tgt_W.T + tgt_b) * iid_emb, axis=2)  # [B, TOPK]
    mean_rating = jnp.mean(voted_rating, axis=1)  # [B]
    return mean_rating

if __name__ == "__main__":
    import jax
    _d = setup_inputs()
    print(jax.jit(kernel)(*tuple(_d.values())))

</pallas_src>

<mosaic_0001>
#map = affine_map<(d0, d1) -> (0, 0)>
module attributes {stable_mosaic.version = 14 : i64} {
  func.func @_gather_kernel(%arg0: i32, %arg1: i32, %arg2: memref<100000x128xf32, #tpu.memory_space<hbm>>, %arg3: memref<1x128xi32, #tpu.memory_space<hbm>>, %arg4: memref<128x128xf32, #tpu.memory_space<hbm>>) attributes {dimension_semantics = [#tpu.dimension_semantics<core_parallel>, #tpu.dimension_semantics<subcore_parallel>], iteration_bounds = array<i64: 2, 16>, scalar_prefetch = 0 : i64, scratch_operands = 0 : i64, tpu.core_type = #tpu.core_type<sc_vector_subcore>, window_params = [{transform_indices = #map}, {transform_indices = #map}, {transform_indices = #map}]} {
    %lt3A = arith.constant 1 : i32
    %lt3A_0 = arith.cmpi slt, %arg1, %lt3A : i32
    %jit3A = arith.constant 1 : i32
    %jit3A_1 = arith.constant 0 : i32
    %select_n3A = arith.select %lt3A_0, %jit3A, %jit3A_1 : i32
    %lt3A_2 = arith.constant 1 : i32
    %lt3A_3 = arith.cmpi slt, %arg1, %lt3A_2 : i32
    %mul3A = arith.muli %arg1, %select_n3A : i32
    %mul3A_4 = arith.constant 0 : i32
    %mul3A_5 = arith.muli %arg1, %mul3A_4 : i32
    %add3A = arith.constant 1 : i32
    %add3A_6 = arith.addi %mul3A_5, %add3A : i32
    %select_n3A_7 = arith.select %lt3A_3, %mul3A, %add3A_6 : i32
    %mul3A_8 = arith.constant 1 : i32
    %mul3A_9 = arith.muli %mul3A_8, %select_n3A : i32
    "tpu.region"() ({
      %run_scoped3A = memref.alloca() : memref<2x1x128xi32, #tpu.memory_space<vmem>>
      %run_scoped3A_10 = tpu.sem_alloc : memref<2x!tpu.dma_semaphore, #tpu.memory_space<semaphore_mem>>
      %run_scoped3A_11 = memref.alloca() : memref<2x128x128xf32, #tpu.memory_space<vmem>>
      %run_scoped3A_12 = tpu.sem_alloc : memref<2x!tpu.dma_semaphore, #tpu.memory_space<semaphore_mem>>
      %gt3A = arith.constant 0 : i32
      %gt3A_13 = arith.cmpi sgt, %mul3A_9, %gt3A : i32
      %convert_element_type3A = arith.extui %gt3A_13 : i1 to i32
      %cond3A = arith.constant 0 : i32
      %cond3A_14 = arith.cmpi ne, %convert_element_type3A, %cond3A : i32
      scf.if %cond3A_14 {
        %mul3A_15 = arith.constant 1 : i32
        %mul3A_16 = arith.muli %mul3A_15, %select_n3A : i32
        %sub3A = arith.constant 1 : i32
        %sub3A_17 = arith.subi %mul3A_16, %sub3A : i32
        %eq3A = arith.constant 0 : i32
        %eq3A_18 = arith.cmpi eq, %sub3A_17, %eq3A : i32
        %add3A_19 = arith.constant 0 : i32
        %add3A_20 = arith.addi %add3A_19, %select_n3A_7 : i32
        %select_n3A_21 = arith.constant true
        %select_n3A_22 = arith.constant 0 : i32
        %select_n3A_23 = arith.constant -1 : i32
        %select_n3A_24 = arith.select %select_n3A_21, %select_n3A_23, %select_n3A_22 : i32
        %eq3A_25 = arith.constant -1 : i32
        %eq3A_26 = arith.cmpi eq, %select_n3A_24, %eq3A_25 : i32
        %sub3A_27 = arith.constant 1 : i32
        %sub3A_28 = arith.subi %select_n3A, %sub3A_27 : i32
        %select_n3A_29 = arith.select %eq3A_26, %sub3A_28, %select_n3A_24 : i32
        %add3A_30 = arith.addi %select_n3A_29, %select_n3A_7 : i32
        %select_n3A_31 = arith.constant true
        %select_n3A_32 = arith.constant 0 : i32
        %select_n3A_33 = arith.constant 1 : i32
        %select_n3A_34 = arith.select %select_n3A_31, %select_n3A_33, %select_n3A_32 : i32
        %eq3A_35 = arith.cmpi eq, %select_n3A_34, %select_n3A : i32
        %select_n3A_36 = arith.constant 0 : i32
        %select_n3A_37 = arith.select %eq3A_35, %select_n3A_36, %select_n3A_34 : i32
        %add3A_38 = arith.addi %select_n3A_37, %select_n3A_7 : i32
        %add3A_39 = arith.constant 1 : i32
        %add3A_40 = arith.addi %select_n3A_37, %add3A_39 : i32
        %select_n3A_41 = arith.constant true
        %select_n3A_42 = arith.select %select_n3A_41, %add3A_40, %select_n3A_37 : i32
        %eq3A_43 = arith.cmpi eq, %select_n3A_42, %select_n3A : i32
        %select_n3A_44 = arith.constant 0 : i32
        %select_n3A_45 = arith.select %eq3A_43, %select_n3A_44, %select_n3A_42 : i32
        %add3A_46 = arith.addi %select_n3A_45, %select_n3A_7 : i32
        "tpu.trace_start"() <{level = 10 : i32, message = "ep_initialize_0"}> : () -> ()
        %rem3A = arith.constant 0 : i32
        %rem3A_47 = arith.constant 2 : i32
        %rem3A_48 = arith.remui %rem3A, %rem3A_47 : i32
        %mul3A_49 = arith.constant 128 : i32
        %mul3A_50 = arith.muli %mul3A_49, %add3A_20 : i32
        %dma_start3A = arith.constant 0 : i32
        %dma_start3A_51 = arith.constant 0 : i32
        %dma_start3A_52 = tpu.memref_slice %run_scoped3A[%rem3A_48, %dma_start3A, %dma_start3A_51] : memref<2x1x128xi32, #tpu.memory_space<vmem>> -> memref<1x1x128xi32, #tpu.memory_space<vmem>>
        %dma_start3A_53 = tpu.memref_squeeze %dma_start3A_52 : memref<1x1x128xi32, #tpu.memory_space<vmem>> -> memref<1x128xi32, #tpu.memory_space<vmem>>
        %dma_start3A_54 = arith.constant 0 : i32
        %dma_start3A_55 = tpu.memref_slice %arg3[%dma_start3A_54, %mul3A_50] : memref<1x128xi32, #tpu.memory_space<hbm>> -> memref<1x128xi32, #tpu.memory_space<hbm>>
        %dma_start3A_56 = tpu.memref_slice %run_scoped3A_10[%rem3A_48] : memref<2x!tpu.dma_semaphore, #tpu.memory_space<semaphore_mem>> -> memref<1x!tpu.dma_semaphore, #tpu.memory_space<semaphore_mem>>
        %dma_start3A_57 = tpu.memref_squeeze %dma_start3A_56 : memref<1x!tpu.dma_semaphore, #tpu.memory_space<semaphore_mem>> -> memref<!tpu.dma_semaphore, #tpu.memory_space<semaphore_mem>>
        %dma_start3A_58 = arith.constant 0 : i32
        %dma_start3A_59 = arith.constant 0 : i32
        %dma_start3A_60 = tpu.memref_slice %run_scoped3A[%rem3A_48, %dma_start3A_58, %dma_start3A_59] : memref<2x1x128xi32, #tpu.memory_space<vmem>> -> memref<1x1x128xi32, #tpu.memory_space<vmem>>
        %dma_start3A_61 = tpu.memref_squeeze %dma_start3A_60 : memref<1x1x128xi32, #tpu.memory_space<vmem>> -> memref<1x128xi32, #tpu.memory_space<vmem>>
        %dma_start3A_62 = arith.constant 0 : i32
        %dma_start3A_63 = tpu.memref_slice %arg3[%dma_start3A_62, %mul3A_50] : memref<1x128xi32, #tpu.memory_space<hbm>> -> memref<1x128xi32, #tpu.memory_space<hbm>>
        tpu.enqueue_dma source(%dma_start3A_63 : memref<1x128xi32, #tpu.memory_space<hbm>>) target(%dma_start3A_61 : memref<1x128xi32, #tpu.memory_space<vmem>>) target_semaphore(%dma_start3A_57 : memref<!tpu.dma_semaphore, #tpu.memory_space<semaphore_mem>>)
        %add3A_64 = arith.constant 0 : i32
        %add3A_65 = arith.constant 1 : i32
        %add3A_66 = arith.addi %add3A_64, %add3A_65 : i32
        %select_n3A_67 = arith.constant true
        %select_n3A_68 = arith.constant 0 : i32
        %select_n3A_69 = arith.select %select_n3A_67, %add3A_66, %select_n3A_68 : i32
        %while3A = arith.constant 0 : i32
        %while3A_70 = arith.constant 0 : i32
        %while3A_71 = arith.constant 0 : i32
        %while3A_72 = arith.constant 0 : i32
        %while3A_73 = arith.constant 0 : i32
        "tpu.trace_stop"() : () -> ()
        %while3A_74 = arith.subi %mul3A_9, %while3A : i32
        %while3A_75 = arith.addi %while3A, %while3A_74 : i32
        %while3A_76 = arith.constant 1 : i32
        %while3A_77 = arith.divsi %while3A_74, %while3A_76 : i32
        %while3A_78 = arith.muli %while3A_77, %while3A_76 : i32
        %while3A_79 = arith.addi %while3A, %while3A_78 : i32
        %while3A_80 = arith.constant 1 : i32
        %while3A_81:5 = scf.for %while3A_135 = %while3A to %while3A_79 step %while3A_80 iter_args(%while3A_136 = %select_n3A_69, %while3A_137 = %while3A_70, %while3A_138 = %while3A_71, %while3A_139 = %while3A_72, %while3A_140 = %while3A_73) -> (i32, i32, i32, i32, i32)  : i32 {
          %mul3A_141 = arith.constant 1 : i32
          %mul3A_142 = arith.muli %mul3A_141, %select_n3A : i32
          %eq3A_143 = arith.constant 0 : i32
          %eq3A_144 = arith.cmpi eq, %while3A_135, %eq3A_143 : i32
          %sub3A_145 = arith.constant 1 : i32
          %sub3A_146 = arith.subi %mul3A_142, %sub3A_145 : i32
          %eq3A_147 = arith.cmpi eq, %while3A_135, %sub3A_146 : i32
          %add3A_148 = arith.addi %while3A_140, %select_n3A_7 : i32
          %sub3A_149 = arith.constant 1 : i32
          %sub3A_150 = arith.subi %while3A_140, %sub3A_149 : i32
          %select_n3A_151 = arith.constant true
          %select_n3A_152 = arith.select %select_n3A_151, %sub3A_150, %while3A_140 : i32
          %eq3A_153 = arith.constant -1 : i32
          %eq3A_154 = arith.cmpi eq, %select_n3A_152, %eq3A_153 : i32
          %sub3A_155 = arith.constant 1 : i32
          %sub3A_156 = arith.subi %select_n3A, %sub3A_155 : i32
          %select_n3A_157 = arith.select %eq3A_154, %sub3A_156, %select_n3A_152 : i32
          %add3A_158 = arith.addi %select_n3A_157, %select_n3A_7 : i32
          %add3A_159 = arith.constant 1 : i32
          %add3A_160 = arith.addi %while3A_140, %add3A_159 : i32
          %select_n3A_161 = arith.constant true
          %select_n3A_162 = arith.select %select_n3A_161, %add3A_160, %while3A_140 : i32
          %eq3A_163 = arith.cmpi eq, %select_n3A_162, %select_n3A : i32
          %select_n3A_164 = arith.constant 0 : i32
          %select_n3A_165 = arith.select %eq3A_163, %select_n3A_164, %select_n3A_162 : i32
          %add3A_166 = arith.addi %select_n3A_165, %select_n3A_7 : i32
          %add3A_167 = arith.constant 1 : i32
          %add3A_168 = arith.addi %select_n3A_165, %add3A_167 : i32
          %select_n3A_169 = arith.constant true
          %select_n3A_170 = arith.select %select_n3A_169, %add3A_168, %select_n3A_165 : i32
          %eq3A_171 = arith.cmpi eq, %select_n3A_170, %select_n3A : i32
          %select_n3A_172 = arith.constant 0 : i32
          %select_n3A_173 = arith.select %eq3A_171, %select_n3A_172, %select_n3A_170 : i32
          %add3A_174 = arith.addi %select_n3A_173, %select_n3A_7 : i32
          %ne3A = arith.cmpi ne, %add3A_148, %add3A_166 : i32
          %or3A = arith.constant false
          %or3A_175 = arith.ori %or3A, %ne3A : i1
          %sub3A_176 = arith.constant 2 : i32
          %sub3A_177 = arith.subi %mul3A_142, %sub3A_176 : i32
          %add3A_178 = arith.constant 1 : i32
          %add3A_179 = arith.addi %sub3A_177, %add3A_178 : i32
          %ge3A = arith.cmpi sge, %while3A_135, %add3A_179 : i32
          %not3A = arith.constant true
          %not3A_180 = arith.xori %ge3A, %not3A : i1
          %and3A = arith.andi %or3A_175, %not3A_180 : i1
          %convert_element_type3A_181 = arith.extui %and3A : i1 to i32
          %cond3A_182 = arith.constant 0 : i32
          %cond3A_183 = arith.cmpi ne, %convert_element_type3A_181, %cond3A_182 : i32
          scf.if %cond3A_183 {
            "tpu.trace_start"() <{level = 10 : i32, message = "ep_copy_in"}> : () -> ()
            %rem3A_287 = arith.constant 2 : i32
            %rem3A_288 = arith.remui %while3A_136, %rem3A_287 : i32
            %mul3A_289 = arith.constant 128 : i32
            %mul3A_290 = arith.muli %mul3A_289, %add3A_166 : i32
            %dma_start3A_291 = arith.constant 0 : i32
            %dma_start3A_292 = arith.constant 0 : i32
            %dma_start3A_293 = tpu.memref_slice %run_scoped3A[%rem3A_288, %dma_start3A_291, %dma_start3A_292] : memref<2x1x128xi32, #tpu.memory_space<vmem>> -> memref<1x1x128xi32, #tpu.memory_space<vmem>>
            %dma_start3A_294 = tpu.memref_squeeze %dma_start3A_293 : memref<1x1x128xi32, #tpu.memory_space<vmem>> -> memref<1x128xi32, #tpu.memory_space<vmem>>
            %dma_start3A_295 = arith.constant 0 : i32
            %dma_start3A_296 = tpu.memref_slice %arg3[%dma_start3A_295, %mul3A_290] : memref<1x128xi32, #tpu.memory_space<hbm>> -> memref<1x128xi32, #tpu.memory_space<hbm>>
            %dma_start3A_297 = tpu.memref_slice %run_scoped3A_10[%rem3A_288] : memref<2x!tpu.dma_semaphore, #tpu.memory_space<semaphore_mem>> -> memref<1x!tpu.dma_semaphore, #tpu.memory_space<semaphore_mem>>
            %dma_start3A_298 = tpu.memref_squeeze %dma_start3A_297 : memref<1x!tpu.dma_semaphore, #tpu.memory_space<semaphore_mem>> -> memref<!tpu.dma_semaphore, #tpu.memory_space<semaphore_mem>>
            %dma_start3A_299 = arith.constant 0 : i32
            %dma_start3A_300 = arith.constant 0 : i32
            %dma_start3A_301 = tpu.memref_slice %run_scoped3A[%rem3A_288, %dma_start3A_299, %dma_start3A_300] : memref<2x1x128xi32, #tpu.memory_space<vmem>> -> memref<1x1x128xi32, #tpu.memory_space<vmem>>
            %dma_start3A_302 = tpu.memref_squeeze %dma_start3A_301 : memref<1x1x128xi32, #tpu.memory_space<vmem>> -> memref<1x128xi32, #tpu.memory_space<vmem>>
            %dma_start3A_303 = arith.constant 0 : i32
            %dma_start3A_304 = tpu.memref_slice %arg3[%dma_start3A_303, %mul3A_290] : memref<1x128xi32, #tpu.memory_space<hbm>> -> memref<1x128xi32, #tpu.memory_space<hbm>>
            tpu.enqueue_dma source(%dma_start3A_304 : memref<1x128xi32, #tpu.memory_space<hbm>>) target(%dma_start3A_302 : memref<1x128xi32, #tpu.memory_space<vmem>>) target_semaphore(%dma_start3A_298 : memref<!tpu.dma_semaphore, #tpu.memory_space<semaphore_mem>>)
            "tpu.trace_stop"() : () -> ()
          } else {
          }
          %and3A_184 = arith.constant true
          %and3A_185 = arith.andi %and3A, %and3A_184 : i1
          %add3A_186 = arith.constant 1 : i32
          %add3A_187 = arith.addi %while3A_136, %add3A_186 : i32
          %select_n3A_188 = arith.select %and3A_185, %add3A_187, %while3A_136 : i32
          %ne3A_189 = arith.cmpi ne, %add3A_148, %add3A_166 : i32
          %or3A_190 = arith.constant false
          %or3A_191 = arith.ori %or3A_190, %ne3A_189 : i1
          %or3A_192 = arith.constant false
          %or3A_193 = arith.ori %or3A_191, %or3A_192 : i1
          %sub3A_194 = arith.constant 2 : i32
          %sub3A_195 = arith.subi %mul3A_142, %sub3A_194 : i32
          %add3A_196 = arith.constant 1 : i32
          %add3A_197 = arith.addi %sub3A_195, %add3A_196 : i32
          %ge3A_198 = arith.cmpi sge, %while3A_135, %add3A_197 : i32
          %not3A_199 = arith.constant true
          %not3A_200 = arith.xori %ge3A_198, %not3A_199 : i1
          %and3A_201 = arith.andi %or3A_193, %not3A_200 : i1
          %ne3A_202 = arith.cmpi ne, %add3A_148, %add3A_158 : i32
          %or3A_203 = arith.constant false
          %or3A_204 = arith.ori %or3A_203, %ne3A_202 : i1
          %or3A_205 = arith.ori %or3A_204, %eq3A_144 : i1
          %convert_element_type3A_206 = arith.extui %or3A_205 : i1 to i32
          %cond3A_207 = arith.constant 0 : i32
          %cond3A_208 = arith.cmpi ne, %convert_element_type3A_206, %cond3A_207 : i32
          scf.if %cond3A_208 {
            "tpu.trace_start"() <{level = 10 : i32, message = "ep_wait_in"}> : () -> ()
            %mul3A_287 = arith.constant 128 : i32
            %mul3A_288 = arith.muli %mul3A_287, %add3A_148 : i32
            %rem3A_289 = arith.constant 2 : i32
            %rem3A_290 = arith.remui %while3A_137, %rem3A_289 : i32
            %dma_wait3A = arith.constant 0 : i32
            %dma_wait3A_291 = arith.constant 0 : i32
            %dma_wait3A_292 = tpu.memref_slice %run_scoped3A[%rem3A_290, %dma_wait3A, %dma_wait3A_291] : memref<2x1x128xi32, #tpu.memory_space<vmem>> -> memref<1x1x128xi32, #tpu.memory_space<vmem>>
            %dma_wait3A_293 = tpu.memref_squeeze %dma_wait3A_292 : memref<1x1x128xi32, #tpu.memory_space<vmem>> -> memref<1x128xi32, #tpu.memory_space<vmem>>
            %dma_wait3A_294 = arith.constant 0 : i32
            %dma_wait3A_295 = tpu.memref_slice %arg3[%dma_wait3A_294, %mul3A_288] : memref<1x128xi32, #tpu.memory_space<hbm>> -> memref<1x128xi32, #tpu.memory_space<hbm>>
            %dma_wait3A_296 = tpu.memref_slice %run_scoped3A_10[%rem3A_290] : memref<2x!tpu.dma_semaphore, #tpu.memory_space<semaphore_mem>> -> memref<1x!tpu.dma_semaphore, #tpu.memory_space<semaphore_mem>>
            %dma_wait3A_297 = tpu.memref_squeeze %dma_wait3A_296 : memref<1x!tpu.dma_semaphore, #tpu.memory_space<semaphore_mem>> -> memref<!tpu.dma_semaphore, #tpu.memory_space<semaphore_mem>>
            %dma_wait3A_298 = arith.constant 0 : i32
            %dma_wait3A_299 = arith.constant 0 : i32
            %dma_wait3A_300 = tpu.memref_slice %run_scoped3A[%rem3A_290, %dma_wait3A_298, %dma_wait3A_299] : memref<2x1x128xi32, #tpu.memory_space<vmem>> -> memref<1x1x128xi32, #tpu.memory_space<vmem>>
            %dma_wait3A_301 = tpu.memref_squeeze %dma_wait3A_300 : memref<1x1x128xi32, #tpu.memory_space<vmem>> -> memref<1x128xi32, #tpu.memory_space<vmem>>
            %dma_wait3A_302 = arith.constant 0 : i32
            %dma_wait3A_303 = tpu.memref_slice %arg3[%dma_wait3A_302, %mul3A_288] : memref<1x128xi32, #tpu.memory_space<hbm>> -> memref<1x128xi32, #tpu.memory_space<hbm>>
            tpu.wait_dma2 semaphore(%dma_wait3A_297 : memref<!tpu.dma_semaphore, #tpu.memory_space<semaphore_mem>>) src(%dma_wait3A_303 : memref<1x128xi32, #tpu.memory_space<hbm>>) dst(%dma_wait3A_301 : memref<1x128xi32, #tpu.memory_space<vmem>>)
            "tpu.trace_stop"() : () -> ()
          } else {
          }
          %ne3A_209 = arith.cmpi ne, %add3A_148, %add3A_158 : i32
          %or3A_210 = arith.constant false
          %or3A_211 = arith.ori %or3A_210, %ne3A_209 : i1
          %or3A_212 = arith.constant false
          %or3A_213 = arith.ori %or3A_211, %or3A_212 : i1
          %or3A_214 = arith.ori %or3A_213, %eq3A_144 : i1
          %convert_element_type3A_215 = arith.extui %or3A_214 : i1 to i32
          %cond3A_216 = arith.constant 0 : i32
          %cond3A_217 = arith.cmpi ne, %convert_element_type3A_215, %cond3A_216 : i32
          scf.if %cond3A_217 {
          } else {
          }
          %rem3A_218 = arith.constant 2 : i32
          %rem3A_219 = arith.remui %while3A_137, %rem3A_218 : i32
          %rem3A_220 = arith.constant 2 : i32
          %rem3A_221 = arith.remui %while3A_138, %rem3A_220 : i32
          %run_scoped3A_222 = arith.constant 0 : i32
          "tpu.trace_start"() <{level = 10 : i32, message = "ep_run_kernel"}> : () -> ()
          "tpu.region"() ({
            %run_scoped3A_287 = tpu.sem_alloc : memref<!tpu.dma_semaphore, #tpu.memory_space<semaphore_mem>>
            %dma_start3A_288 = arith.constant 0 : i32
            %dma_start3A_289 = arith.constant 0 : i32
            %dma_start3A_290 = tpu.memref_slice %run_scoped3A_11[%rem3A_221, %dma_start3A_288, %dma_start3A_289] : memref<2x128x128xf32, #tpu.memory_space<vmem>> -> memref<1x128x128xf32, #tpu.memory_space<vmem>>
            %dma_start3A_291 = tpu.memref_squeeze %dma_start3A_290 : memref<1x128x128xf32, #tpu.memory_space<vmem>> -> memref<128x128xf32, #tpu.memory_space<vmem>>
            %dma_start3A_292 = arith.constant 0 : i32
            %dma_start3A_293 = arith.constant 0 : i32
            %dma_start3A_294 = tpu.memref_slice %run_scoped3A[%rem3A_219, %dma_start3A_292, %dma_start3A_293] : memref<2x1x128xi32, #tpu.memory_space<vmem>> -> memref<1x1x128xi32, #tpu.memory_space<vmem>>
            %dma_start3A_295 = tpu.memref_squeeze %dma_start3A_294 : memref<1x1x128xi32, #tpu.memory_space<vmem>> -> memref<1x128xi32, #tpu.memory_space<vmem>>
            %dma_start3A_296 = arith.constant 0 : i32
            %dma_start3A_297 = tpu.memref_slice %dma_start3A_295[%run_scoped3A_222, %dma_start3A_296] : memref<1x128xi32, #tpu.memory_space<vmem>> -> memref<1x128xi32, #tpu.memory_space<vmem>>
            %dma_start3A_298 = tpu.memref_squeeze %dma_start3A_297 : memref<1x128xi32, #tpu.memory_space<vmem>> -> memref<128xi32, #tpu.memory_space<vmem>>
            %dma_start3A_299 = arith.constant 0 : i32
            %dma_start3A_300 = arith.constant 0 : i32
            %dma_start3A_301 = tpu.memref_slice %arg2[%dma_start3A_299, %dma_start3A_300] : memref<100000x128xf32, #tpu.memory_space<hbm>> -> memref<100000x128xf32, #tpu.memory_space<hbm>>
            tpu.enqueue_indirect_dma source(%dma_start3A_301 : memref<100000x128xf32, #tpu.memory_space<hbm>>) target(%dma_start3A_291 : memref<128x128xf32, #tpu.memory_space<vmem>>) offsets(%dma_start3A_298 : memref<128xi32, #tpu.memory_space<vmem>>) semaphore(%run_scoped3A_287 : memref<!tpu.dma_semaphore, #tpu.memory_space<semaphore_mem>>)
            %dma_wait3A = arith.constant 0 : i32
            %dma_wait3A_302 = arith.constant 0 : i32
            %dma_wait3A_303 = tpu.memref_slice %run_scoped3A_11[%rem3A_221, %dma_wait3A, %dma_wait3A_302] : memref<2x128x128xf32, #tpu.memory_space<vmem>> -> memref<1x128x128xf32, #tpu.memory_space<vmem>>
            %dma_wait3A_304 = tpu.memref_squeeze %dma_wait3A_303 : memref<1x128x128xf32, #tpu.memory_space<vmem>> -> memref<128x128xf32, #tpu.memory_space<vmem>>
            %dma_wait3A_305 = arith.constant 0 : i32
            %dma_wait3A_306 = arith.constant 0 : i32
            %dma_wait3A_307 = tpu.memref_slice %run_scoped3A[%rem3A_219, %dma_wait3A_305, %dma_wait3A_306] : memref<2x1x128xi32, #tpu.memory_space<vmem>> -> memref<1x1x128xi32, #tpu.memory_space<vmem>>
            %dma_wait3A_308 = tpu.memref_squeeze %dma_wait3A_307 : memref<1x1x128xi32, #tpu.memory_space<vmem>> -> memref<1x128xi32, #tpu.memory_space<vmem>>
            %dma_wait3A_309 = arith.constant 0 : i32
            %dma_wait3A_310 = tpu.memref_slice %dma_wait3A_308[%run_scoped3A_222, %dma_wait3A_309] : memref<1x128xi32, #tpu.memory_space<vmem>> -> memref<1x128xi32, #tpu.memory_space<vmem>>
            %dma_wait3A_311 = tpu.memref_squeeze %dma_wait3A_310 : memref<1x128xi32, #tpu.memory_space<vmem>> -> memref<128xi32, #tpu.memory_space<vmem>>
            %dma_wait3A_312 = arith.constant 0 : i32
            %dma_wait3A_313 = arith.constant 0 : i32
            %dma_wait3A_314 = tpu.memref_slice %arg2[%dma_wait3A_312, %dma_wait3A_313] : memref<100000x128xf32, #tpu.memory_space<hbm>> -> memref<100000x128xf32, #tpu.memory_space<hbm>>
            tpu.wait_indirect_dma semaphore(%run_scoped3A_287 : memref<!tpu.dma_semaphore, #tpu.memory_space<semaphore_mem>>) src(%dma_wait3A_314 : memref<100000x128xf32, #tpu.memory_space<hbm>>) dst(%dma_wait3A_304 : memref<128x128xf32, #tpu.memory_space<vmem>>)
            tpu.yield
          }) : () -> ()
          "tpu.trace_stop"() : () -> ()
          %ne3A_223 = arith.cmpi ne, %add3A_148, %add3A_166 : i32
          %or3A_224 = arith.constant false
          %or3A_225 = arith.ori %or3A_224, %ne3A_223 : i1
          %or3A_226 = arith.ori %or3A_225, %eq3A_147 : i1
          %convert_element_type3A_227 = arith.extui %or3A_226 : i1 to i32
          %cond3A_228 = arith.constant 0 : i32
          %cond3A_229 = arith.cmpi ne, %convert_element_type3A_227, %cond3A_228 : i32
          scf.if %cond3A_229 {
          } else {
          }
          %and3A_230 = arith.constant false
          %and3A_231 = arith.andi %or3A_226, %and3A_230 : i1
          %ne3A_232 = arith.cmpi ne, %add3A_148, %add3A_166 : i32
          %or3A_233 = arith.constant false
          %or3A_234 = arith.ori %or3A_233, %ne3A_232 : i1
          %or3A_235 = arith.constant false
          %or3A_236 = arith.ori %or3A_234, %or3A_235 : i1
          %or3A_237 = arith.ori %or3A_236, %eq3A_147 : i1
          %convert_element_type3A_238 = arith.extui %or3A_237 : i1 to i32
          %cond3A_239 = arith.constant 0 : i32
          %cond3A_240 = arith.cmpi ne, %convert_element_type3A_238, %cond3A_239 : i32
          scf.if %cond3A_240 {
            "tpu.trace_start"() <{level = 10 : i32, message = "ep_copy_out"}> : () -> ()
            %rem3A_287 = arith.constant 2 : i32
            %rem3A_288 = arith.remui %while3A_138, %rem3A_287 : i32
            %mul3A_289 = arith.constant 128 : i32
            %mul3A_290 = arith.muli %mul3A_289, %add3A_148 : i32
            %dma_start3A_291 = arith.constant 0 : i32
            %dma_start3A_292 = arith.constant 0 : i32
            %dma_start3A_293 = tpu.memref_slice %run_scoped3A_11[%rem3A_288, %dma_start3A_291, %dma_start3A_292] : memref<2x128x128xf32, #tpu.memory_space<vmem>> -> memref<1x128x128xf32, #tpu.memory_space<vmem>>
            %dma_start3A_294 = tpu.memref_squeeze %dma_start3A_293 : memref<1x128x128xf32, #tpu.memory_space<vmem>> -> memref<128x128xf32, #tpu.memory_space<vmem>>
            %dma_start3A_295 = arith.constant 0 : i32
            %dma_start3A_296 = tpu.memref_slice %arg4[%mul3A_290, %dma_start3A_295] : memref<128x128xf32, #tpu.memory_space<hbm>> -> memref<128x128xf32, #tpu.memory_space<hbm>>
            %dma_start3A_297 = tpu.memref_slice %run_scoped3A_12[%rem3A_288] : memref<2x!tpu.dma_semaphore, #tpu.memory_space<semaphore_mem>> -> memref<1x!tpu.dma_semaphore, #tpu.memory_space<semaphore_mem>>
            %dma_start3A_298 = tpu.memref_squeeze %dma_start3A_297 : memref<1x!tpu.dma_semaphore, #tpu.memory_space<semaphore_mem>> -> memref<!tpu.dma_semaphore, #tpu.memory_space<semaphore_mem>>
            %dma_start3A_299 = arith.constant 0 : i32
            %dma_start3A_300 = tpu.memref_slice %arg4[%mul3A_290, %dma_start3A_299] : memref<128x128xf32, #tpu.memory_space<hbm>> -> memref<128x128xf32, #tpu.memory_space<hbm>>
            %dma_start3A_301 = arith.constant 0 : i32
            %dma_start3A_302 = arith.constant 0 : i32
            %dma_start3A_303 = tpu.memref_slice %run_scoped3A_11[%rem3A_288, %dma_start3A_301, %dma_start3A_302] : memref<2x128x128xf32, #tpu.memory_space<vmem>> -> memref<1x128x128xf32, #tpu.memory_space<vmem>>
            %dma_start3A_304 = tpu.memref_squeeze %dma_start3A_303 : memref<1x128x128xf32, #tpu.memory_space<vmem>> -> memref<128x128xf32, #tpu.memory_space<vmem>>
            tpu.enqueue_dma source(%dma_start3A_304 : memref<128x128xf32, #tpu.memory_space<vmem>>) target(%dma_start3A_300 : memref<128x128xf32, #tpu.memory_space<hbm>>) target_semaphore(%dma_start3A_298 : memref<!tpu.dma_semaphore, #tpu.memory_space<semaphore_mem>>)
            "tpu.trace_stop"() : () -> ()
          } else {
          }
          %and3A_241 = arith.constant true
          %and3A_242 = arith.andi %or3A_237, %and3A_241 : i1
          %add3A_243 = arith.constant 1 : i32
          %add3A_244 = arith.addi %while3A_138, %add3A_243 : i32
          %select_n3A_245 = arith.select %and3A_242, %add3A_244, %while3A_138 : i32
          %ne3A_246 = arith.cmpi ne, %add3A_148, %add3A_158 : i32
          %or3A_247 = arith.constant false
          %or3A_248 = arith.ori %or3A_247, %ne3A_246 : i1
          %not3A_249 = arith.constant true
          %not3A_250 = arith.xori %eq3A_144, %not3A_249 : i1
          %and3A_251 = arith.andi %or3A_248, %not3A_250 : i1
          %convert_element_type3A_252 = arith.extui %and3A_251 : i1 to i32
          %cond3A_253 = arith.constant 0 : i32
          %cond3A_254 = arith.cmpi ne, %convert_element_type3A_252, %cond3A_253 : i32
          scf.if %cond3A_254 {
          } else {
          }
          %and3A_255 = arith.constant false
          %and3A_256 = arith.andi %and3A_251, %and3A_255 : i1
          %ne3A_257 = arith.cmpi ne, %add3A_148, %add3A_158 : i32
          %or3A_258 = arith.constant false
          %or3A_259 = arith.ori %or3A_258, %ne3A_257 : i1
          %or3A_260 = arith.constant false
          %or3A_261 = arith.ori %or3A_259, %or3A_260 : i1
          %not3A_262 = arith.constant true
          %not3A_263 = arith.xori %eq3A_144, %not3A_262 : i1
          %and3A_264 = arith.andi %or3A_261, %not3A_263 : i1
          %convert_element_type3A_265 = arith.extui %and3A_264 : i1 to i32
          %cond3A_266 = arith.constant 0 : i32
          %cond3A_267 = arith.cmpi ne, %convert_element_type3A_265, %cond3A_266 : i32
          scf.if %cond3A_267 {
            "tpu.trace_start"() <{level = 10 : i32, message = "ep_wait_out"}> : () -> ()
            %rem3A_287 = arith.constant 2 : i32
            %rem3A_288 = arith.remui %while3A_139, %rem3A_287 : i32
            %mul3A_289 = arith.constant 128 : i32
            %mul3A_290 = arith.muli %mul3A_289, %add3A_158 : i32
            %dma_wait3A = arith.constant 0 : i32
            %dma_wait3A_291 = arith.constant 0 : i32
            %dma_wait3A_292 = tpu.memref_slice %run_scoped3A_11[%rem3A_288, %dma_wait3A, %dma_wait3A_291] : memref<2x128x128xf32, #tpu.memory_space<vmem>> -> memref<1x128x128xf32, #tpu.memory_space<vmem>>
            %dma_wait3A_293 = tpu.memref_squeeze %dma_wait3A_292 : memref<1x128x128xf32, #tpu.memory_space<vmem>> -> memref<128x128xf32, #tpu.memory_space<vmem>>
            %dma_wait3A_294 = arith.constant 0 : i32
            %dma_wait3A_295 = tpu.memref_slice %arg4[%mul3A_290, %dma_wait3A_294] : memref<128x128xf32, #tpu.memory_space<hbm>> -> memref<128x128xf32, #tpu.memory_space<hbm>>
            %dma_wait3A_296 = tpu.memref_slice %run_scoped3A_12[%rem3A_288] : memref<2x!tpu.dma_semaphore, #tpu.memory_space<semaphore_mem>> -> memref<1x!tpu.dma_semaphore, #tpu.memory_space<semaphore_mem>>
            %dma_wait3A_297 = tpu.memref_squeeze %dma_wait3A_296 : memref<1x!tpu.dma_semaphore, #tpu.memory_space<semaphore_mem>> -> memref<!tpu.dma_semaphore, #tpu.memory_space<semaphore_mem>>
            %dma_wait3A_298 = arith.constant 0 : i32
            %dma_wait3A_299 = tpu.memref_slice %arg4[%mul3A_290, %dma_wait3A_298] : memref<128x128xf32, #tpu.memory_space<hbm>> -> memref<128x128xf32, #tpu.memory_space<hbm>>
            %dma_wait3A_300 = arith.constant 0 : i32
            %dma_wait3A_301 = arith.constant 0 : i32
            %dma_wait3A_302 = tpu.memref_slice %run_scoped3A_11[%rem3A_288, %dma_wait3A_300, %dma_wait3A_301] : memref<2x128x128xf32, #tpu.memory_space<vmem>> -> memref<1x128x128xf32, #tpu.memory_space<vmem>>
            %dma_wait3A_303 = tpu.memref_squeeze %dma_wait3A_302 : memref<1x128x128xf32, #tpu.memory_space<vmem>> -> memref<128x128xf32, #tpu.memory_space<vmem>>
            tpu.wait_dma2 semaphore(%dma_wait3A_297 : memref<!tpu.dma_semaphore, #tpu.memory_space<semaphore_mem>>) src(%dma_wait3A_303 : memref<128x128xf32, #tpu.memory_space<vmem>>) dst(%dma_wait3A_299 : memref<128x128xf32, #tpu.memory_space<hbm>>)
            "tpu.trace_stop"() : () -> ()
          } else {
          }
          %and3A_268 = arith.constant true
          %and3A_269 = arith.andi %and3A_264, %and3A_268 : i1
          %add3A_270 = arith.constant 1 : i32
          %add3A_271 = arith.addi %while3A_139, %add3A_270 : i32
          %select_n3A_272 = arith.select %and3A_269, %add3A_271, %while3A_139 : i32
          %ne3A_273 = arith.cmpi ne, %add3A_148, %add3A_166 : i32
          %or3A_274 = arith.constant false
          %or3A_275 = arith.ori %or3A_274, %ne3A_273 : i1
          %or3A_276 = arith.ori %or3A_275, %eq3A_147 : i1
          %add3A_277 = arith.constant 1 : i32
          %add3A_278 = arith.addi %while3A_137, %add3A_277 : i32
          %select_n3A_279 = arith.select %or3A_276, %add3A_278, %while3A_137 : i32
          %add3A_280 = arith.constant 1 : i32
          %add3A_281 = arith.addi %while3A_140, %add3A_280 : i32
          %select_n3A_282 = arith.constant true
          %select_n3A_283 = arith.select %select_n3A_282, %add3A_281, %while3A_140 : i32
          %eq3A_284 = arith.cmpi eq, %select_n3A_283, %select_n3A : i32
          %select_n3A_285 = arith.constant 0 : i32
          %select_n3A_286 = arith.select %eq3A_284, %select_n3A_285, %select_n3A_283 : i32
          scf.yield %select_n3A_188, %select_n3A_279, %select_n3A_245, %select_n3A_272, %select_n3A_286 : i32, i32, i32, i32, i32
        }
        %while3A_82 = arith.constant 1 : i32
        %while3A_83:5 = scf.for %while3A_135 = %while3A_79 to %while3A_75 step %while3A_82 iter_args(%while3A_136 = %while3A_81#0, %while3A_137 = %while3A_81#1, %while3A_138 = %while3A_81#2, %while3A_139 = %while3A_81#3, %while3A_140 = %while3A_81#4) -> (i32, i32, i32, i32, i32)  : i32 {
          %mul3A_141 = arith.constant 1 : i32
          %mul3A_142 = arith.muli %mul3A_141, %select_n3A : i32
          %eq3A_143 = arith.constant 0 : i32
          %eq3A_144 = arith.cmpi eq, %while3A_135, %eq3A_143 : i32
          %sub3A_145 = arith.constant 1 : i32
          %sub3A_146 = arith.subi %mul3A_142, %sub3A_145 : i32
          %eq3A_147 = arith.cmpi eq, %while3A_135, %sub3A_146 : i32
          %add3A_148 = arith.addi %while3A_140, %select_n3A_7 : i32
          %sub3A_149 = arith.constant 1 : i32
          %sub3A_150 = arith.subi %while3A_140, %sub3A_149 : i32
          %select_n3A_151 = arith.constant true
          %select_n3A_152 = arith.select %select_n3A_151, %sub3A_150, %while3A_140 : i32
          %eq3A_153 = arith.constant -1 : i32
          %eq3A_154 = arith.cmpi eq, %select_n3A_152, %eq3A_153 : i32
          %sub3A_155 = arith.constant 1 : i32
          %sub3A_156 = arith.subi %select_n3A, %sub3A_155 : i32
          %select_n3A_157 = arith.select %eq3A_154, %sub3A_156, %select_n3A_152 : i32
          %add3A_158 = arith.addi %select_n3A_157, %select_n3A_7 : i32
          %add3A_159 = arith.constant 1 : i32
          %add3A_160 = arith.addi %while3A_140, %add3A_159 : i32
          %select_n3A_161 = arith.constant true
          %select_n3A_162 = arith.select %select_n3A_161, %add3A_160, %while3A_140 : i32
          %eq3A_163 = arith.cmpi eq, %select_n3A_162, %select_n3A : i32
          %select_n3A_164 = arith.constant 0 : i32
          %select_n3A_165 = arith.select %eq3A_163, %select_n3A_164, %select_n3A_162 : i32
          %add3A_166 = arith.addi %select_n3A_165, %select_n3A_7 : i32
          %add3A_167 = arith.constant 1 : i32
          %add3A_168 = arith.addi %select_n3A_165, %add3A_167 : i32
          %select_n3A_169 = arith.constant true
          %select_n3A_170 = arith.select %select_n3A_169, %add3A_168, %select_n3A_165 : i32
          %eq3A_171 = arith.cmpi eq, %select_n3A_170, %select_n3A : i32
          %select_n3A_172 = arith.constant 0 : i32
          %select_n3A_173 = arith.select %eq3A_171, %select_n3A_172, %select_n3A_170 : i32
          %add3A_174 = arith.addi %select_n3A_173, %select_n3A_7 : i32
          %ne3A = arith.cmpi ne, %add3A_148, %add3A_166 : i32
          %or3A = arith.constant false
          %or3A_175 = arith.ori %or3A, %ne3A : i1
          %sub3A_176 = arith.constant 2 : i32
          %sub3A_177 = arith.subi %mul3A_142, %sub3A_176 : i32
          %add3A_178 = arith.constant 1 : i32
          %add3A_179 = arith.addi %sub3A_177, %add3A_178 : i32
          %ge3A = arith.cmpi sge, %while3A_135, %add3A_179 : i32
          %not3A = arith.constant true
          %not3A_180 = arith.xori %ge3A, %not3A : i1
          %and3A = arith.andi %or3A_175, %not3A_180 : i1
          %convert_element_type3A_181 = arith.extui %and3A : i1 to i32
          %cond3A_182 = arith.constant 0 : i32
          %cond3A_183 = arith.cmpi ne, %convert_element_type3A_181, %cond3A_182 : i32
          scf.if %cond3A_183 {
            "tpu.trace_start"() <{level = 10 : i32, message = "ep_copy_in"}> : () -> ()
            %rem3A_287 = arith.constant 2 : i32
            %rem3A_288 = arith.remui %while3A_136, %rem3A_287 : i32
            %mul3A_289 = arith.constant 128 : i32
            %mul3A_290 = arith.muli %mul3A_289, %add3A_166 : i32
            %dma_start3A_291 = arith.constant 0 : i32
            %dma_start3A_292 = arith.constant 0 : i32
            %dma_start3A_293 = tpu.memref_slice %run_scoped3A[%rem3A_288, %dma_start3A_291, %dma_start3A_292] : memref<2x1x128xi32, #tpu.memory_space<vmem>> -> memref<1x1x128xi32, #tpu.memory_space<vmem>>
            %dma_start3A_294 = tpu.memref_squeeze %dma_start3A_293 : memref<1x1x128xi32, #tpu.memory_space<vmem>> -> memref<1x128xi32, #tpu.memory_space<vmem>>
            %dma_start3A_295 = arith.constant 0 : i32
            %dma_start3A_296 = tpu.memref_slice %arg3[%dma_start3A_295, %mul3A_290] : memref<1x128xi32, #tpu.memory_space<hbm>> -> memref<1x128xi32, #tpu.memory_space<hbm>>
            %dma_start3A_297 = tpu.memref_slice %run_scoped3A_10[%rem3A_288] : memref<2x!tpu.dma_semaphore, #tpu.memory_space<semaphore_mem>> -> memref<1x!tpu.dma_semaphore, #tpu.memory_space<semaphore_mem>>
            %dma_start3A_298 = tpu.memref_squeeze %dma_start3A_297 : memref<1x!tpu.dma_semaphore, #tpu.memory_space<semaphore_mem>> -> memref<!tpu.dma_semaphore, #tpu.memory_space<semaphore_mem>>
            %dma_start3A_299 = arith.constant 0 : i32
            %dma_start3A_300 = arith.constant 0 : i32
            %dma_start3A_301 = tpu.memref_slice %run_scoped3A[%rem3A_288, %dma_start3A_299, %dma_start3A_300] : memref<2x1x128xi32, #tpu.memory_space<vmem>> -> memref<1x1x128xi32, #tpu.memory_space<vmem>>
            %dma_start3A_302 = tpu.memref_squeeze %dma_start3A_301 : memref<1x1x128xi32, #tpu.memory_space<vmem>> -> memref<1x128xi32, #tpu.memory_space<vmem>>
            %dma_start3A_303 = arith.constant 0 : i32
            %dma_start3A_304 = tpu.memref_slice %arg3[%dma_start3A_303, %mul3A_290] : memref<1x128xi32, #tpu.memory_space<hbm>> -> memref<1x128xi32, #tpu.memory_space<hbm>>
            tpu.enqueue_dma source(%dma_start3A_304 : memref<1x128xi32, #tpu.memory_space<hbm>>) target(%dma_start3A_302 : memref<1x128xi32, #tpu.memory_space<vmem>>) target_semaphore(%dma_start3A_298 : memref<!tpu.dma_semaphore, #tpu.memory_space<semaphore_mem>>)
            "tpu.trace_stop"() : () -> ()
          } else {
          }
          %and3A_184 = arith.constant true
          %and3A_185 = arith.andi %and3A, %and3A_184 : i1
          %add3A_186 = arith.constant 1 : i32
          %add3A_187 = arith.addi %while3A_136, %add3A_186 : i32
          %select_n3A_188 = arith.select %and3A_185, %add3A_187, %while3A_136 : i32
          %ne3A_189 = arith.cmpi ne, %add3A_148, %add3A_166 : i32
          %or3A_190 = arith.constant false
          %or3A_191 = arith.ori %or3A_190, %ne3A_189 : i1
          %or3A_192 = arith.constant false
          %or3A_193 = arith.ori %or3A_191, %or3A_192 : i1
          %sub3A_194 = arith.constant 2 : i32
          %sub3A_195 = arith.subi %mul3A_142, %sub3A_194 : i32
          %add3A_196 = arith.constant 1 : i32
          %add3A_197 = arith.addi %sub3A_195, %add3A_196 : i32
          %ge3A_198 = arith.cmpi sge, %while3A_135, %add3A_197 : i32
          %not3A_199 = arith.constant true
          %not3A_200 = arith.xori %ge3A_198, %not3A_199 : i1
          %and3A_201 = arith.andi %or3A_193, %not3A_200 : i1
          %ne3A_202 = arith.cmpi ne, %add3A_148, %add3A_158 : i32
          %or3A_203 = arith.constant false
          %or3A_204 = arith.ori %or3A_203, %ne3A_202 : i1
          %or3A_205 = arith.ori %or3A_204, %eq3A_144 : i1
          %convert_element_type3A_206 = arith.extui %or3A_205 : i1 to i32
          %cond3A_207 = arith.constant 0 : i32
          %cond3A_208 = arith.cmpi ne, %convert_element_type3A_206, %cond3A_207 : i32
          scf.if %cond3A_208 {
            "tpu.trace_start"() <{level = 10 : i32, message = "ep_wait_in"}> : () -> ()
            %mul3A_287 = arith.constant 128 : i32
            %mul3A_288 = arith.muli %mul3A_287, %add3A_148 : i32
            %rem3A_289 = arith.constant 2 : i32
            %rem3A_290 = arith.remui %while3A_137, %rem3A_289 : i32
            %dma_wait3A = arith.constant 0 : i32
            %dma_wait3A_291 = arith.constant 0 : i32
            %dma_wait3A_292 = tpu.memref_slice %run_scoped3A[%rem3A_290, %dma_wait3A, %dma_wait3A_291] : memref<2x1x128xi32, #tpu.memory_space<vmem>> -> memref<1x1x128xi32, #tpu.memory_space<vmem>>
            %dma_wait3A_293 = tpu.memref_squeeze %dma_wait3A_292 : memref<1x1x128xi32, #tpu.memory_space<vmem>> -> memref<1x128xi32, #tpu.memory_space<vmem>>
            %dma_wait3A_294 = arith.constant 0 : i32
            %dma_wait3A_295 = tpu.memref_slice %arg3[%dma_wait3A_294, %mul3A_288] : memref<1x128xi32, #tpu.memory_space<hbm>> -> memref<1x128xi32, #tpu.memory_space<hbm>>
            %dma_wait3A_296 = tpu.memref_slice %run_scoped3A_10[%rem3A_290] : memref<2x!tpu.dma_semaphore, #tpu.memory_space<semaphore_mem>> -> memref<1x!tpu.dma_semaphore, #tpu.memory_space<semaphore_mem>>
            %dma_wait3A_297 = tpu.memref_squeeze %dma_wait3A_296 : memref<1x!tpu.dma_semaphore, #tpu.memory_space<semaphore_mem>> -> memref<!tpu.dma_semaphore, #tpu.memory_space<semaphore_mem>>
            %dma_wait3A_298 = arith.constant 0 : i32
            %dma_wait3A_299 = arith.constant 0 : i32
            %dma_wait3A_300 = tpu.memref_slice %run_scoped3A[%rem3A_290, %dma_wait3A_298, %dma_wait3A_299] : memref<2x1x128xi32, #tpu.memory_space<vmem>> -> memref<1x1x128xi32, #tpu.memory_space<vmem>>
            %dma_wait3A_301 = tpu.memref_squeeze %dma_wait3A_300 : memref<1x1x128xi32, #tpu.memory_space<vmem>> -> memref<1x128xi32, #tpu.memory_space<vmem>>
            %dma_wait3A_302 = arith.constant 0 : i32
            %dma_wait3A_303 = tpu.memref_slice %arg3[%dma_wait3A_302, %mul3A_288] : memref<1x128xi32, #tpu.memory_space<hbm>> -> memref<1x128xi32, #tpu.memory_space<hbm>>
            tpu.wait_dma2 semaphore(%dma_wait3A_297 : memref<!tpu.dma_semaphore, #tpu.memory_space<semaphore_mem>>) src(%dma_wait3A_303 : memref<1x128xi32, #tpu.memory_space<hbm>>) dst(%dma_wait3A_301 : memref<1x128xi32, #tpu.memory_space<vmem>>)
            "tpu.trace_stop"() : () -> ()
          } else {
          }
          %ne3A_209 = arith.cmpi ne, %add3A_148, %add3A_158 : i32
          %or3A_210 = arith.constant false
          %or3A_211 = arith.ori %or3A_210, %ne3A_209 : i1
          %or3A_212 = arith.constant false
          %or3A_213 = arith.ori %or3A_211, %or3A_212 : i1
          %or3A_214 = arith.ori %or3A_213, %eq3A_144 : i1
          %convert_element_type3A_215 = arith.extui %or3A_214 : i1 to i32
          %cond3A_216 = arith.constant 0 : i32
          %cond3A_217 = arith.cmpi ne, %convert_element_type3A_215, %cond3A_216 : i32
          scf.if %cond3A_217 {
          } else {
          }
          %rem3A_218 = arith.constant 2 : i32
          %rem3A_219 = arith.remui %while3A_137, %rem3A_218 : i32
          %rem3A_220 = arith.constant 2 : i32
          %rem3A_221 = arith.remui %while3A_138, %rem3A_220 : i32
          %run_scoped3A_222 = arith.constant 0 : i32
          "tpu.trace_start"() <{level = 10 : i32, message = "ep_run_kernel"}> : () -> ()
          "tpu.region"() ({
            %run_scoped3A_287 = tpu.sem_alloc : memref<!tpu.dma_semaphore, #tpu.memory_space<semaphore_mem>>
            %dma_start3A_288 = arith.constant 0 : i32
            %dma_start3A_289 = arith.constant 0 : i32
            %dma_start3A_290 = tpu.memref_slice %run_scoped3A_11[%rem3A_221, %dma_start3A_288, %dma_start3A_289] : memref<2x128x128xf32, #tpu.memory_space<vmem>> -> memref<1x128x128xf32, #tpu.memory_space<vmem>>
            %dma_start3A_291 = tpu.memref_squeeze %dma_start3A_290 : memref<1x128x128xf32, #tpu.memory_space<vmem>> -> memref<128x128xf32, #tpu.memory_space<vmem>>
            %dma_start3A_292 = arith.constant 0 : i32
            %dma_start3A_293 = arith.constant 0 : i32
            %dma_start3A_294 = tpu.memref_slice %run_scoped3A[%rem3A_219, %dma_start3A_292, %dma_start3A_293] : memref<2x1x128xi32, #tpu.memory_space<vmem>> -> memref<1x1x128xi32, #tpu.memory_space<vmem>>
            %dma_start3A_295 = tpu.memref_squeeze %dma_start3A_294 : memref<1x1x128xi32, #tpu.memory_space<vmem>> -> memref<1x128xi32, #tpu.memory_space<vmem>>
            %dma_start3A_296 = arith.constant 0 : i32
            %dma_start3A_297 = tpu.memref_slice %dma_start3A_295[%run_scoped3A_222, %dma_start3A_296] : memref<1x128xi32, #tpu.memory_space<vmem>> -> memref<1x128xi32, #tpu.memory_space<vmem>>
            %dma_start3A_298 = tpu.memref_squeeze %dma_start3A_297 : memref<1x128xi32, #tpu.memory_space<vmem>> -> memref<128xi32, #tpu.memory_space<vmem>>
            %dma_start3A_299 = arith.constant 0 : i32
            %dma_start3A_300 = arith.constant 0 : i32
            %dma_start3A_301 = tpu.memref_slice %arg2[%dma_start3A_299, %dma_start3A_300] : memref<100000x128xf32, #tpu.memory_space<hbm>> -> memref<100000x128xf32, #tpu.memory_space<hbm>>
            tpu.enqueue_indirect_dma source(%dma_start3A_301 : memref<100000x128xf32, #tpu.memory_space<hbm>>) target(%dma_start3A_291 : memref<128x128xf32, #tpu.memory_space<vmem>>) offsets(%dma_start3A_298 : memref<128xi32, #tpu.memory_space<vmem>>) semaphore(%run_scoped3A_287 : memref<!tpu.dma_semaphore, #tpu.memory_space<semaphore_mem>>)
            %dma_wait3A = arith.constant 0 : i32
            %dma_wait3A_302 = arith.constant 0 : i32
            %dma_wait3A_303 = tpu.memref_slice %run_scoped3A_11[%rem3A_221, %dma_wait3A, %dma_wait3A_302] : memref<2x128x128xf32, #tpu.memory_space<vmem>> -> memref<1x128x128xf32, #tpu.memory_space<vmem>>
            %dma_wait3A_304 = tpu.memref_squeeze %dma_wait3A_303 : memref<1x128x128xf32, #tpu.memory_space<vmem>> -> memref<128x128xf32, #tpu.memory_space<vmem>>
            %dma_wait3A_305 = arith.constant 0 : i32
            %dma_wait3A_306 = arith.constant 0 : i32
            %dma_wait3A_307 = tpu.memref_slice %run_scoped3A[%rem3A_219, %dma_wait3A_305, %dma_wait3A_306] : memref<2x1x128xi32, #tpu.memory_space<vmem>> -> memref<1x1x128xi32, #tpu.memory_space<vmem>>
            %dma_wait3A_308 = tpu.memref_squeeze %dma_wait3A_307 : memref<1x1x128xi32, #tpu.memory_space<vmem>> -> memref<1x128xi32, #tpu.memory_space<vmem>>
            %dma_wait3A_309 = arith.constant 0 : i32
            %dma_wait3A_310 = tpu.memref_slice %dma_wait3A_308[%run_scoped3A_222, %dma_wait3A_309] : memref<1x128xi32, #tpu.memory_space<vmem>> -> memref<1x128xi32, #tpu.memory_space<vmem>>
            %dma_wait3A_311 = tpu.memref_squeeze %dma_wait3A_310 : memref<1x128xi32, #tpu.memory_space<vmem>> -> memref<128xi32, #tpu.memory_space<vmem>>
            %dma_wait3A_312 = arith.constant 0 : i32
            %dma_wait3A_313 = arith.constant 0 : i32
            %dma_wait3A_314 = tpu.memref_slice %arg2[%dma_wait3A_312, %dma_wait3A_313] : memref<100000x128xf32, #tpu.memory_space<hbm>> -> memref<100000x128xf32, #tpu.memory_space<hbm>>
            tpu.wait_indirect_dma semaphore(%run_scoped3A_287 : memref<!tpu.dma_semaphore, #tpu.memory_space<semaphore_mem>>) src(%dma_wait3A_314 : memref<100000x128xf32, #tpu.memory_space<hbm>>) dst(%dma_wait3A_304 : memref<128x128xf32, #tpu.memory_space<vmem>>)
            tpu.yield
          }) : () -> ()
          "tpu.trace_stop"() : () -> ()
          %ne3A_223 = arith.cmpi ne, %add3A_148, %add3A_166 : i32
          %or3A_224 = arith.constant false
          %or3A_225 = arith.ori %or3A_224, %ne3A_223 : i1
          %or3A_226 = arith.ori %or3A_225, %eq3A_147 : i1
          %convert_element_type3A_227 = arith.extui %or3A_226 : i1 to i32
          %cond3A_228 = arith.constant 0 : i32
          %cond3A_229 = arith.cmpi ne, %convert_element_type3A_227, %cond3A_228 : i32
          scf.if %cond3A_229 {
          } else {
          }
          %and3A_230 = arith.constant false
          %and3A_231 = arith.andi %or3A_226, %and3A_230 : i1
          %ne3A_232 = arith.cmpi ne, %add3A_148, %add3A_166 : i32
          %or3A_233 = arith.constant false
          %or3A_234 = arith.ori %or3A_233, %ne3A_232 : i1
          %or3A_235 = arith.constant false
          %or3A_236 = arith.ori %or3A_234, %or3A_235 : i1
          %or3A_237 = arith.ori %or3A_236, %eq3A_147 : i1
          %convert_element_type3A_238 = arith.extui %or3A_237 : i1 to i32
          %cond3A_239 = arith.constant 0 : i32
          %cond3A_240 = arith.cmpi ne, %convert_element_type3A_238, %cond3A_239 : i32
          scf.if %cond3A_240 {
            "tpu.trace_start"() <{level = 10 : i32, message = "ep_copy_out"}> : () -> ()
            %rem3A_287 = arith.constant 2 : i32
            %rem3A_288 = arith.remui %while3A_138, %rem3A_287 : i32
            %mul3A_289 = arith.constant 128 : i32
            %mul3A_290 = arith.muli %mul3A_289, %add3A_148 : i32
            %dma_start3A_291 = arith.constant 0 : i32
            %dma_start3A_292 = arith.constant 0 : i32
            %dma_start3A_293 = tpu.memref_slice %run_scoped3A_11[%rem3A_288, %dma_start3A_291, %dma_start3A_292] : memref<2x128x128xf32, #tpu.memory_space<vmem>> -> memref<1x128x128xf32, #tpu.memory_space<vmem>>
            %dma_start3A_294 = tpu.memref_squeeze %dma_start3A_293 : memref<1x128x128xf32, #tpu.memory_space<vmem>> -> memref<128x128xf32, #tpu.memory_space<vmem>>
            %dma_start3A_295 = arith.constant 0 : i32
            %dma_start3A_296 = tpu.memref_slice %arg4[%mul3A_290, %dma_start3A_295] : memref<128x128xf32, #tpu.memory_space<hbm>> -> memref<128x128xf32, #tpu.memory_space<hbm>>
            %dma_start3A_297 = tpu.memref_slice %run_scoped3A_12[%rem3A_288] : memref<2x!tpu.dma_semaphore, #tpu.memory_space<semaphore_mem>> -> memref<1x!tpu.dma_semaphore, #tpu.memory_space<semaphore_mem>>
            %dma_start3A_298 = tpu.memref_squeeze %dma_start3A_297 : memref<1x!tpu.dma_semaphore, #tpu.memory_space<semaphore_mem>> -> memref<!tpu.dma_semaphore, #tpu.memory_space<semaphore_mem>>
            %dma_start3A_299 = arith.constant 0 : i32
            %dma_start3A_300 = tpu.memref_slice %arg4[%mul3A_290, %dma_start3A_299] : memref<128x128xf32, #tpu.memory_space<hbm>> -> memref<128x128xf32, #tpu.memory_space<hbm>>
            %dma_start3A_301 = arith.constant 0 : i32
            %dma_start3A_302 = arith.constant 0 : i32
            %dma_start3A_303 = tpu.memref_slice %run_scoped3A_11[%rem3A_288, %dma_start3A_301, %dma_start3A_302] : memref<2x128x128xf32, #tpu.memory_space<vmem>> -> memref<1x128x128xf32, #tpu.memory_space<vmem>>
            %dma_start3A_304 = tpu.memref_squeeze %dma_start3A_303 : memref<1x128x128xf32, #tpu.memory_space<vmem>> -> memref<128x128xf32, #tpu.memory_space<vmem>>
            tpu.enqueue_dma source(%dma_start3A_304 : memref<128x128xf32, #tpu.memory_space<vmem>>) target(%dma_start3A_300 : memref<128x128xf32, #tpu.memory_space<hbm>>) target_semaphore(%dma_start3A_298 : memref<!tpu.dma_semaphore, #tpu.memory_space<semaphore_mem>>)
            "tpu.trace_stop"() : () -> ()
          } else {
          }
          %and3A_241 = arith.constant true
          %and3A_242 = arith.andi %or3A_237, %and3A_241 : i1
          %add3A_243 = arith.constant 1 : i32
          %add3A_244 = arith.addi %while3A_138, %add3A_243 : i32
          %select_n3A_245 = arith.select %and3A_242, %add3A_244, %while3A_138 : i32
          %ne3A_246 = arith.cmpi ne, %add3A_148, %add3A_158 : i32
          %or3A_247 = arith.constant false
          %or3A_248 = arith.ori %or3A_247, %ne3A_246 : i1
          %not3A_249 = arith.constant true
          %not3A_250 = arith.xori %eq3A_144, %not3A_249 : i1
          %and3A_251 = arith.andi %or3A_248, %not3A_250 : i1
          %convert_element_type3A_252 = arith.extui %and3A_251 : i1 to i32
          %cond3A_253 = arith.constant 0 : i32
          %cond3A_254 = arith.cmpi ne, %convert_element_type3A_252, %cond3A_253 : i32
          scf.if %cond3A_254 {
          } else {
          }
          %and3A_255 = arith.constant false
          %and3A_256 = arith.andi %and3A_251, %and3A_255 : i1
          %ne3A_257 = arith.cmpi ne, %add3A_148, %add3A_158 : i32
          %or3A_258 = arith.constant false
          %or3A_259 = arith.ori %or3A_258, %ne3A_257 : i1
          %or3A_260 = arith.constant false
          %or3A_261 = arith.ori %or3A_259, %or3A_260 : i1
          %not3A_262 = arith.constant true
          %not3A_263 = arith.xori %eq3A_144, %not3A_262 : i1
          %and3A_264 = arith.andi %or3A_261, %not3A_263 : i1
          %convert_element_type3A_265 = arith.extui %and3A_264 : i1 to i32
          %cond3A_266 = arith.constant 0 : i32
          %cond3A_267 = arith.cmpi ne, %convert_element_type3A_265, %cond3A_266 : i32
          scf.if %cond3A_267 {
            "tpu.trace_start"() <{level = 10 : i32, message = "ep_wait_out"}> : () -> ()
            %rem3A_287 = arith.constant 2 : i32
            %rem3A_288 = arith.remui %while3A_139, %rem3A_287 : i32
            %mul3A_289 = arith.constant 128 : i32
            %mul3A_290 = arith.muli %mul3A_289, %add3A_158 : i32
            %dma_wait3A = arith.constant 0 : i32
            %dma_wait3A_291 = arith.constant 0 : i32
            %dma_wait3A_292 = tpu.memref_slice %run_scoped3A_11[%rem3A_288, %dma_wait3A, %dma_wait3A_291] : memref<2x128x128xf32, #tpu.memory_space<vmem>> -> memref<1x128x128xf32, #tpu.memory_space<vmem>>
            %dma_wait3A_293 = tpu.memref_squeeze %dma_wait3A_292 : memref<1x128x128xf32, #tpu.memory_space<vmem>> -> memref<128x128xf32, #tpu.memory_space<vmem>>
            %dma_wait3A_294 = arith.constant 0 : i32
            %dma_wait3A_295 = tpu.memref_slice %arg4[%mul3A_290, %dma_wait3A_294] : memref<128x128xf32, #tpu.memory_space<hbm>> -> memref<128x128xf32, #tpu.memory_space<hbm>>
            %dma_wait3A_296 = tpu.memref_slice %run_scoped3A_12[%rem3A_288] : memref<2x!tpu.dma_semaphore, #tpu.memory_space<semaphore_mem>> -> memref<1x!tpu.dma_semaphore, #tpu.memory_space<semaphore_mem>>
            %dma_wait3A_297 = tpu.memref_squeeze %dma_wait3A_296 : memref<1x!tpu.dma_semaphore, #tpu.memory_space<semaphore_mem>> -> memref<!tpu.dma_semaphore, #tpu.memory_space<semaphore_mem>>
            %dma_wait3A_298 = arith.constant 0 : i32
            %dma_wait3A_299 = tpu.memref_slice %arg4[%mul3A_290, %dma_wait3A_298] : memref<128x128xf32, #tpu.memory_space<hbm>> -> memref<128x128xf32, #tpu.memory_space<hbm>>
            %dma_wait3A_300 = arith.constant 0 : i32
            %dma_wait3A_301 = arith.constant 0 : i32
            %dma_wait3A_302 = tpu.memref_slice %run_scoped3A_11[%rem3A_288, %dma_wait3A_300, %dma_wait3A_301] : memref<2x128x128xf32, #tpu.memory_space<vmem>> -> memref<1x128x128xf32, #tpu.memory_space<vmem>>
            %dma_wait3A_303 = tpu.memref_squeeze %dma_wait3A_302 : memref<1x128x128xf32, #tpu.memory_space<vmem>> -> memref<128x128xf32, #tpu.memory_space<vmem>>
            tpu.wait_dma2 semaphore(%dma_wait3A_297 : memref<!tpu.dma_semaphore, #tpu.memory_space<semaphore_mem>>) src(%dma_wait3A_303 : memref<128x128xf32, #tpu.memory_space<vmem>>) dst(%dma_wait3A_299 : memref<128x128xf32, #tpu.memory_space<hbm>>)
            "tpu.trace_stop"() : () -> ()
          } else {
          }
          %and3A_268 = arith.constant true
          %and3A_269 = arith.andi %and3A_264, %and3A_268 : i1
          %add3A_270 = arith.constant 1 : i32
          %add3A_271 = arith.addi %while3A_139, %add3A_270 : i32
          %select_n3A_272 = arith.select %and3A_269, %add3A_271, %while3A_139 : i32
          %ne3A_273 = arith.cmpi ne, %add3A_148, %add3A_166 : i32
          %or3A_274 = arith.constant false
          %or3A_275 = arith.ori %or3A_274, %ne3A_273 : i1
          %or3A_276 = arith.ori %or3A_275, %eq3A_147 : i1
          %add3A_277 = arith.constant 1 : i32
          %add3A_278 = arith.addi %while3A_137, %add3A_277 : i32
          %select_n3A_279 = arith.select %or3A_276, %add3A_278, %while3A_137 : i32
          %add3A_280 = arith.constant 1 : i32
          %add3A_281 = arith.addi %while3A_140, %add3A_280 : i32
          %select_n3A_282 = arith.constant true
          %select_n3A_283 = arith.select %select_n3A_282, %add3A_281, %while3A_140 : i32
          %eq3A_284 = arith.cmpi eq, %select_n3A_283, %select_n3A : i32
          %select_n3A_285 = arith.constant 0 : i32
          %select_n3A_286 = arith.select %eq3A_284, %select_n3A_285, %select_n3A_283 : i32
          scf.yield %select_n3A_188, %select_n3A_279, %select_n3A_245, %select_n3A_272, %select_n3A_286 : i32, i32, i32, i32, i32
        }
        %sub3A_84 = arith.constant 1 : i32
        %sub3A_85 = arith.subi %while3A_83#4, %sub3A_84 : i32
        %select_n3A_86 = arith.constant true
        %select_n3A_87 = arith.select %select_n3A_86, %sub3A_85, %while3A_83#4 : i32
        %eq3A_88 = arith.constant -1 : i32
        %eq3A_89 = arith.cmpi eq, %select_n3A_87, %eq3A_88 : i32
        %sub3A_90 = arith.constant 1 : i32
        %sub3A_91 = arith.subi %select_n3A, %sub3A_90 : i32
        %select_n3A_92 = arith.select %eq3A_89, %sub3A_91, %select_n3A_87 : i32
        %sub3A_93 = arith.constant 1 : i32
        %sub3A_94 = arith.subi %mul3A_9, %sub3A_93 : i32
        %mul3A_95 = arith.constant 1 : i32
        %mul3A_96 = arith.muli %mul3A_95, %select_n3A : i32
        %eq3A_97 = arith.constant 0 : i32
        %eq3A_98 = arith.cmpi eq, %sub3A_94, %eq3A_97 : i32
        %sub3A_99 = arith.constant 1 : i32
        %sub3A_100 = arith.subi %mul3A_96, %sub3A_99 : i32
        %eq3A_101 = arith.cmpi eq, %sub3A_94, %sub3A_100 : i32
        %add3A_102 = arith.addi %select_n3A_92, %select_n3A_7 : i32
        %sub3A_103 = arith.constant 1 : i32
        %sub3A_104 = arith.subi %select_n3A_92, %sub3A_103 : i32
        %select_n3A_105 = arith.constant true
        %select_n3A_106 = arith.select %select_n3A_105, %sub3A_104, %select_n3A_92 : i32
        %eq3A_107 = arith.constant -1 : i32
        %eq3A_108 = arith.cmpi eq, %select_n3A_106, %eq3A_107 : i32
        %sub3A_109 = arith.constant 1 : i32
        %sub3A_110 = arith.subi %select_n3A, %sub3A_109 : i32
        %select_n3A_111 = arith.select %eq3A_108, %sub3A_110, %select_n3A_106 : i32
        %add3A_112 = arith.addi %select_n3A_111, %select_n3A_7 : i32
        %add3A_113 = arith.constant 1 : i32
        %add3A_114 = arith.addi %select_n3A_92, %add3A_113 : i32
        %select_n3A_115 = arith.constant true
        %select_n3A_116 = arith.select %select_n3A_115, %add3A_114, %select_n3A_92 : i32
        %eq3A_117 = arith.cmpi eq, %select_n3A_116, %select_n3A : i32
        %select_n3A_118 = arith.constant 0 : i32
        %select_n3A_119 = arith.select %eq3A_117, %select_n3A_118, %select_n3A_116 : i32
        %add3A_120 = arith.addi %select_n3A_119, %select_n3A_7 : i32
        %add3A_121 = arith.constant 1 : i32
        %add3A_122 = arith.addi %select_n3A_119, %add3A_121 : i32
        %select_n3A_123 = arith.constant true
        %select_n3A_124 = arith.select %select_n3A_123, %add3A_122, %select_n3A_119 : i32
        %eq3A_125 = arith.cmpi eq, %select_n3A_124, %select_n3A : i32
        %select_n3A_126 = arith.constant 0 : i32
        %select_n3A_127 = arith.select %eq3A_125, %select_n3A_126, %select_n3A_124 : i32
        %add3A_128 = arith.addi %select_n3A_127, %select_n3A_7 : i32
        %convert_element_type3A_129 = arith.extui %eq3A_101 : i1 to i32
        %cond3A_130 = arith.constant 0 : i32
        %cond3A_131 = arith.cmpi ne, %convert_element_type3A_129, %cond3A_130 : i32
        scf.if %cond3A_131 {
        } else {
        }
        %convert_element_type3A_132 = arith.extui %eq3A_101 : i1 to i32
        %cond3A_133 = arith.constant 0 : i32
        %cond3A_134 = arith.cmpi ne, %convert_element_type3A_132, %cond3A_133 : i32
        scf.if %cond3A_134 {
          "tpu.trace_start"() <{level = 10 : i32, message = "ep_finalize"}> : () -> ()
          %rem3A_135 = arith.constant 2 : i32
          %rem3A_136 = arith.remui %while3A_83#3, %rem3A_135 : i32
          %mul3A_137 = arith.constant 128 : i32
          %mul3A_138 = arith.muli %mul3A_137, %add3A_102 : i32
          %dma_wait3A = arith.constant 0 : i32
          %dma_wait3A_139 = arith.constant 0 : i32
          %dma_wait3A_140 = tpu.memref_slice %run_scoped3A_11[%rem3A_136, %dma_wait3A, %dma_wait3A_139] : memref<2x128x128xf32, #tpu.memory_space<vmem>> -> memref<1x128x128xf32, #tpu.memory_space<vmem>>
          %dma_wait3A_141 = tpu.memref_squeeze %dma_wait3A_140 : memref<1x128x128xf32, #tpu.memory_space<vmem>> -> memref<128x128xf32, #tpu.memory_space<vmem>>
          %dma_wait3A_142 = arith.constant 0 : i32
          %dma_wait3A_143 = tpu.memref_slice %arg4[%mul3A_138, %dma_wait3A_142] : memref<128x128xf32, #tpu.memory_space<hbm>> -> memref<128x128xf32, #tpu.memory_space<hbm>>
          %dma_wait3A_144 = tpu.memref_slice %run_scoped3A_12[%rem3A_136] : memref<2x!tpu.dma_semaphore, #tpu.memory_space<semaphore_mem>> -> memref<1x!tpu.dma_semaphore, #tpu.memory_space<semaphore_mem>>
          %dma_wait3A_145 = tpu.memref_squeeze %dma_wait3A_144 : memref<1x!tpu.dma_semaphore, #tpu.memory_space<semaphore_mem>> -> memref<!tpu.dma_semaphore, #tpu.memory_space<semaphore_mem>>
          %dma_wait3A_146 = arith.constant 0 : i32
          %dma_wait3A_147 = tpu.memref_slice %arg4[%mul3A_138, %dma_wait3A_146] : memref<128x128xf32, #tpu.memory_space<hbm>> -> memref<128x128xf32, #tpu.memory_space<hbm>>
          %dma_wait3A_148 = arith.constant 0 : i32
          %dma_wait3A_149 = arith.constant 0 : i32
          %dma_wait3A_150 = tpu.memref_slice %run_scoped3A_11[%rem3A_136, %dma_wait3A_148, %dma_wait3A_149] : memref<2x128x128xf32, #tpu.memory_space<vmem>> -> memref<1x128x128xf32, #tpu.memory_space<vmem>>
          %dma_wait3A_151 = tpu.memref_squeeze %dma_wait3A_150 : memref<1x128x128xf32, #tpu.memory_space<vmem>> -> memref<128x128xf32, #tpu.memory_space<vmem>>
          tpu.wait_dma2 semaphore(%dma_wait3A_145 : memref<!tpu.dma_semaphore, #tpu.memory_space<semaphore_mem>>) src(%dma_wait3A_151 : memref<128x128xf32, #tpu.memory_space<vmem>>) dst(%dma_wait3A_147 : memref<128x128xf32, #tpu.memory_space<hbm>>)
          "tpu.trace_stop"() : () -> ()
        } else {
        }
      } else {
      }
      tpu.yield
    }) : () -> ()
    return
  }
}

module attributes {stable_mosaic.version = 14 : i64} {
  func.func @_tc_kernel(%arg0: i32, %arg1: i32, %arg2: memref<64x128xf32, #tpu.memory_space<vmem>>, %arg3: memref<128x128xf32, #tpu.memory_space<vmem>>, %arg4: memref<1x128xf32, #tpu.memory_space<vmem>>, %arg5: memref<128x128xf32, #tpu.memory_space<vmem>>, %arg6: memref<4000x128xf32, #tpu.memory_space<vmem>>, %arg7: memref<128x64xf32, #tpu.memory_space<vmem>>, %arg8: memref<128x64xf32, #tpu.memory_space<vmem>>, %arg9: memref<1x128xi16, #tpu.memory_space<vmem>>, %arg10: memref<1x128xf32, #tpu.memory_space<vmem>>, %arg11: memref<50000x128xi16, #tpu.memory_space<vmem>>, %arg12: memref<2000x128xi16, #tpu.memory_space<vmem>>) attributes {dimension_semantics = [#tpu.dimension_semantics<arbitrary>, #tpu.dimension_semantics<arbitrary>], iteration_bounds = array<i64: 2, 25>, scalar_prefetch = 0 : i64, scratch_operands = 5 : i64, tpu.core_type = #tpu.core_type<tc>, window_params = [{pipeline_mode = #tpu.pipeline_mode<synchronous>, transform_indices = @transform_0, window_bounds = array<i64: 64, 128>}, {pipeline_mode = #tpu.pipeline_mode<synchronous>, transform_indices = @transform_1, window_bounds = array<i64: 128, 128>}, {pipeline_mode = #tpu.pipeline_mode<synchronous>, transform_indices = @transform_2, window_bounds = array<i64: 1, 128>}, {pipeline_mode = #tpu.pipeline_mode<synchronous>, transform_indices = @transform_3, window_bounds = array<i64: 128, 128>}, {transform_indices = @transform_4, window_bounds = array<i64: 4000, 128>}, {pipeline_mode = #tpu.pipeline_mode<synchronous>, transform_indices = @transform_5, window_bounds = array<i64: 128, 64>}]} {
    %eq3A = arith.constant 0 : i32
    %eq3A_0 = arith.cmpi eq, %arg0, %eq3A : i32
    %eq3A_1 = arith.constant 0 : i32
    %eq3A_2 = arith.cmpi eq, %arg1, %eq3A_1 : i32
    %and3A = arith.andi %eq3A_0, %eq3A_2 : i1
    %convert_element_type3A = arith.extui %and3A : i1 to i32
    %cond3A = arith.constant 0 : i32
    %cond3A_3 = arith.cmpi ne, %convert_element_type3A, %cond3A : i32
    scf.if %cond3A_3 {
      %get3A = arith.constant 0 : index
      %get3A_22 = arith.constant 0 : index
      %get3A_23 = vector.load %arg5[%get3A, %get3A_22] : memref<128x128xf32, #tpu.memory_space<vmem>>, vector<128x128xf32>
      %get3A_24 = arith.constant 0 : index
      %get3A_25 = arith.constant 0 : index
      %get3A_26 = vector.load %arg2[%get3A_24, %get3A_25] : memref<64x128xf32, #tpu.memory_space<vmem>>, vector<64x128xf32>
      %dot_general3A = arith.constant dense<0.000000e+00> : vector<128x64xf32>
      %dot_general3A_27 = tpu.matmul %get3A_23, %get3A_26, %dot_general3A {dimension_numbers = #tpu.dot_dimension_numbers<[1], [1], [0], [0], [0, 0, 1, 0], [], []>, transpose_lhs_hint = false} : vector<128x128xf32>, vector<64x128xf32>, vector<128x64xf32> -> vector<128x64xf32>
      %swap3A = arith.constant 0 : index
      %swap3A_28 = arith.constant 0 : index
      %swap3A_29 = vector.load %arg8[%swap3A, %swap3A_28] : memref<128x64xf32, #tpu.memory_space<vmem>>, vector<128x64xf32>
      tpu.vector_store %arg8[%swap3A, %swap3A_28], %dot_general3A_27 {strides = array<i32>} : memref<128x64xf32, #tpu.memory_space<vmem>>, vector<128x64xf32>,
    } else {
    }
    %eq3A_4 = arith.constant 0 : i32
    %eq3A_5 = arith.cmpi eq, %arg0, %eq3A_4 : i32
    %convert_element_type3A_6 = arith.extui %eq3A_5 : i1 to i32
    %cond3A_7 = arith.constant 0 : i32
    %cond3A_8 = arith.cmpi ne, %convert_element_type3A_6, %cond3A_7 : i32
    scf.if %cond3A_8 {
      %get3A = arith.constant 0 : index
      %get3A_22 = arith.constant 0 : index
      %get3A_23 = vector.load %arg6[%get3A, %get3A_22] : memref<4000x128xf32, #tpu.memory_space<vmem>>, vector<4000x128xf32>
      %get3A_24 = arith.constant 0 : index
      %get3A_25 = arith.constant 0 : index
      %get3A_26 = vector.load %arg3[%get3A_24, %get3A_25] : memref<128x128xf32, #tpu.memory_space<vmem>>, vector<128x128xf32>
      %dot_general3A = arith.constant dense<0.000000e+00> : vector<4000x128xf32>
      %dot_general3A_27 = tpu.matmul %get3A_23, %get3A_26, %dot_general3A {dimension_numbers = #tpu.dot_dimension_numbers<[1], [1], [0], [0], [0, 0, 1, 0], [], []>, transpose_lhs_hint = false} : vector<4000x128xf32>, vector<128x128xf32>, vector<4000x128xf32> -> vector<4000x128xf32>
      %get3A_28 = arith.constant 0 : index
      %get3A_29 = arith.constant 0 : index
      %get3A_30 = vector.load %arg4[%get3A_28, %get3A_29] : memref<1x128xf32, #tpu.memory_space<vmem>>, vector<1x128xf32>
      %add3A = vector.broadcast %get3A_30 : vector<1x128xf32> to vector<4000x128xf32>
      %add3A_31 = arith.addf %dot_general3A_27, %add3A : vector<4000x128xf32>
      %get3A_32 = arith.constant 0 : index
      %get3A_33 = arith.constant 0 : index
      %get3A_34 = vector.load %arg8[%get3A_32, %get3A_33] : memref<128x64xf32, #tpu.memory_space<vmem>>, vector<128x64xf32>
      %dot_general3A_35 = arith.constant dense<0.000000e+00> : vector<4000x64xf32>
      %dot_general3A_36 = tpu.matmul %add3A_31, %get3A_34, %dot_general3A_35 {dimension_numbers = #tpu.dot_dimension_numbers<[1], [0], [0], [1], [0, 0, 1, 1], [], []>, transpose_lhs_hint = false} : vector<4000x128xf32>, vector<128x64xf32>, vector<4000x64xf32> -> vector<4000x64xf32>
      %sub3A = arith.constant 1.000000e+00 : f32
      %sub3A_37 = vector.broadcast %sub3A : f32 to vector<4000x64xf32>
      %sub3A_38 = arith.subf %dot_general3A_36, %sub3A_37 : vector<4000x64xf32>
      %abs3A = math.absf %sub3A_38 : vector<4000x64xf32>
      %mul3A = arith.constant 1.638300e+04 : f32
      %mul3A_39 = vector.broadcast %mul3A : f32 to vector<4000x64xf32>
      %mul3A_40 = arith.mulf %abs3A, %mul3A_39 : vector<4000x64xf32>
      %min3A = arith.constant 3.276600e+04 : f32
      %min3A_41 = vector.broadcast %min3A : f32 to vector<4000x64xf32>
      %min3A_42 = arith.minimumf %mul3A_40, %min3A_41 : vector<4000x64xf32>
      %convert_element_type3A_43 = arith.fptosi %min3A_42 : vector<4000x64xf32> to vector<4000x64xi32>
      %convert_element_type3A_44 = arith.trunci %convert_element_type3A_43 : vector<4000x64xi32> to vector<4000x64xi16>
      %slice3A = vector.extract_strided_slice %convert_element_type3A_44 {offsets = [0, 0], sizes = [2000, 64], strides = [1, 1]} : vector<4000x64xi16> to vector<2000x64xi16>
      %slice3A_45 = vector.extract_strided_slice %convert_element_type3A_44 {offsets = [2000, 0], sizes = [2000, 64], strides = [1, 1]} : vector<4000x64xi16> to vector<2000x64xi16>
      %concatenate3A = tpu.concatenate %slice3A, %slice3A_45 in 1 : vector<2000x64xi16>, vector<2000x64xi16> -> vector<2000x128xi16>
      %mul3A_46 = arith.constant 2000 : i32
      %mul3A_47 = arith.muli %arg1, %mul3A_46 : i32
      %swap3A = arith.index_cast %mul3A_47 : i32 to index
      %swap3A_48 = arith.constant 0 : index
      %swap3A_49 = vector.load %arg11[%swap3A, %swap3A_48] : memref<50000x128xi16, #tpu.memory_space<vmem>>, vector<2000x128xi16>
      tpu.vector_store %arg11[%swap3A, %swap3A_48], %concatenate3A {strides = array<i32>} : memref<50000x128xi16, #tpu.memory_space<vmem>>, vector<2000x128xi16>,
    } else {
    }
    %eq3A_9 = arith.constant 0 : i32
    %eq3A_10 = arith.cmpi eq, %arg0, %eq3A_9 : i32
    %eq3A_11 = arith.constant 24 : i32
    %eq3A_12 = arith.cmpi eq, %arg1, %eq3A_11 : i32
    %and3A_13 = arith.andi %eq3A_10, %eq3A_12 : i1
    %convert_element_type3A_14 = arith.extui %and3A_13 : i1 to i32
    %cond3A_15 = arith.constant 0 : i32
    %cond3A_16 = arith.cmpi ne, %convert_element_type3A_14, %cond3A_15 : i32
    scf.if %cond3A_16 {
      %broadcast_in_dim3A = arith.constant 1.000000e+00 : bf16
      %broadcast_in_dim3A_22 = vector.broadcast %broadcast_in_dim3A : bf16 to vector<1x2000xbf16>
      %broadcast_in_dim3A_23 = arith.constant 0 : i32
      %broadcast_in_dim3A_24 = vector.broadcast %broadcast_in_dim3A_23 : i32 to vector<1x128xi32>
      %scan3A = arith.constant 1 : i16
      %scan3A_25 = arith.constant 0 : i16
      %scan3A_26 = arith.constant 1.500000e+04 : f32
      %scan3A_27 = arith.constant 0 : i32
      %scan3A_28 = arith.constant 15 : i32
      %scan3A_29 = arith.addi %scan3A_27, %scan3A_28 : i32
      %scan3A_30 = arith.constant 1 : i32
      %scan3A_31 = scf.for %scan3A_86 = %scan3A_27 to %scan3A_29 step %scan3A_30 iter_args(%scan3A_87 = %broadcast_in_dim3A_24) -> (vector<1x128xi32>)  : i32 {
        %sub3A_88 = arith.constant 14 : i32
        %sub3A_89 = arith.subi %sub3A_88, %scan3A_86 : i32
        %shift_left3A = arith.constant 1 : i32
        %shift_left3A_90 = arith.shli %shift_left3A, %sub3A_89 : i32
        %add3A_91 = vector.broadcast %shift_left3A_90 : i32 to vector<1x128xi32>
        %add3A_92 = arith.addi %scan3A_87, %add3A_91 : vector<1x128xi32>
        %convert_element_type3A_93 = arith.trunci %add3A_92 : vector<1x128xi32> to vector<1x128xi16>
        %broadcast_in_dim3A_94 = arith.constant 0 : i16
        %broadcast_in_dim3A_95 = vector.broadcast %broadcast_in_dim3A_94 : i16 to vector<2000x128xi16>
        %swap3A_96 = arith.constant 0 : index
        %swap3A_97 = arith.constant 0 : index
        %swap3A_98 = vector.load %arg12[%swap3A_96, %swap3A_97] : memref<2000x128xi16, #tpu.memory_space<vmem>>, vector<2000x128xi16>
        tpu.vector_store %arg12[%swap3A_96, %swap3A_97], %broadcast_in_dim3A_95 {strides = array<i32>} : memref<2000x128xi16, #tpu.memory_space<vmem>>, vector<2000x128xi16>,
        %scan3A_99 = arith.constant 0 : i32
        %scan3A_100 = arith.constant 25 : i32
        %scan3A_101 = arith.addi %scan3A_99, %scan3A_100 : i32
        %scan3A_102 = arith.constant 1 : i32
        scf.for %scan3A_115 = %scan3A_99 to %scan3A_101 step %scan3A_102  : i32 {
          %mul3A = arith.constant 2000 : i32
          %mul3A_116 = arith.muli %scan3A_115, %mul3A : i32
          %get3A_117 = arith.index_cast %mul3A_116 : i32 to index
          %get3A_118 = arith.constant 0 : index
          %get3A_119 = vector.load %arg11[%get3A_117, %get3A_118] : memref<50000x128xi16, #tpu.memory_space<vmem>>, vector<2000x128xi16>
          %get3A_120 = arith.constant 0 : index
          %get3A_121 = arith.constant 0 : index
          %get3A_122 = vector.load %arg12[%get3A_120, %get3A_121] : memref<2000x128xi16, #tpu.memory_space<vmem>>, vector<2000x128xi16>
          %lt3A = vector.broadcast %convert_element_type3A_93 : vector<1x128xi16> to vector<2000x128xi16>
          %lt3A_123 = arith.cmpi slt, %get3A_119, %lt3A : vector<2000x128xi16>
          %broadcast_in_dim3A_124 = vector.broadcast %scan3A : i16 to vector<2000x128xi16>
          %broadcast_in_dim3A_125 = vector.broadcast %scan3A_25 : i16 to vector<2000x128xi16>
          %select_n3A_126 = arith.select %lt3A_123, %broadcast_in_dim3A_124, %broadcast_in_dim3A_125 : vector<2000x128xi1>, vector<2000x128xi16>
          %add3A_127 = arith.addi %get3A_122, %select_n3A_126 : vector<2000x128xi16>
          %swap3A_128 = arith.constant 0 : index
          %swap3A_129 = arith.constant 0 : index
          %swap3A_130 = vector.load %arg12[%swap3A_128, %swap3A_129] : memref<2000x128xi16, #tpu.memory_space<vmem>>, vector<2000x128xi16>
          tpu.vector_store %arg12[%swap3A_128, %swap3A_129], %add3A_127 {strides = array<i32>} : memref<2000x128xi16, #tpu.memory_space<vmem>>, vector<2000x128xi16>,
        }
        %scan3A_103 = arith.constant 25 : i32
        %get3A_104 = arith.constant 0 : index
        %get3A_105 = arith.constant 0 : index
        %get3A_106 = vector.load %arg12[%get3A_104, %get3A_105] : memref<2000x128xi16, #tpu.memory_space<vmem>>, vector<2000x128xi16>
        %convert_element_type3A_107 = arith.sitofp %get3A_106 : vector<2000x128xi16> to vector<2000x128xbf16>
        %dot_general3A_108 = arith.constant dense<0.000000e+00> : vector<1x128xf32>
        %dot_general3A_109 = tpu.matmul %broadcast_in_dim3A_22, %convert_element_type3A_107, %dot_general3A_108 {dimension_numbers = #tpu.dot_dimension_numbers<[1], [0], [0], [1], [0, 0, 1, 1], [], []>, transpose_lhs_hint = false} : vector<1x2000xbf16>, vector<2000x128xbf16>, vector<1x128xf32> -> vector<1x128xf32>
        %slice3A_110 = vector.extract_strided_slice %dot_general3A_109 {offsets = [0, 0], sizes = [1, 64], strides = [1, 1]} : vector<1x128xf32> to vector<1x64xf32>
        %slice3A_111 = vector.extract_strided_slice %dot_general3A_109 {offsets = [0, 64], sizes = [1, 64], strides = [1, 1]} : vector<1x128xf32> to vector<1x64xf32>
        %add3A_112 = arith.addf %slice3A_110, %slice3A_111 : vector<1x64xf32>
        %concatenate3A_113 = tpu.concatenate %add3A_112, %add3A_112 in 1 : vector<1x64xf32>, vector<1x64xf32> -> vector<1x128xf32>
        %ge3A = vector.broadcast %scan3A_26 : f32 to vector<1x128xf32>
        %ge3A_114 = arith.cmpf oge, %concatenate3A_113, %ge3A : vector<1x128xf32>
        %select_n3A = arith.select %ge3A_114, %scan3A_87, %add3A_92 : vector<1x128xi1>, vector<1x128xi32>
        scf.yield %select_n3A : vector<1x128xi32>
      }
      %scan3A_32 = arith.constant 15 : i32
      %convert_element_type3A_33 = arith.trunci %scan3A_31 : vector<1x128xi32> to vector<1x128xi16>
      %swap3A = arith.constant 0 : index
      %swap3A_34 = arith.constant 0 : index
      %swap3A_35 = vector.load %arg9[%swap3A, %swap3A_34] : memref<1x128xi16, #tpu.memory_space<vmem>>, vector<1x128xi16>
      tpu.vector_store %arg9[%swap3A, %swap3A_34], %convert_element_type3A_33 {strides = array<i32>} : memref<1x128xi16, #tpu.memory_space<vmem>>, vector<1x128xi16>,
      %broadcast_in_dim3A_36 = arith.constant 0 : i16
      %broadcast_in_dim3A_37 = vector.broadcast %broadcast_in_dim3A_36 : i16 to vector<2000x128xi16>
      %swap3A_38 = arith.constant 0 : index
      %swap3A_39 = arith.constant 0 : index
      %swap3A_40 = vector.load %arg12[%swap3A_38, %swap3A_39] : memref<2000x128xi16, #tpu.memory_space<vmem>>, vector<2000x128xi16>
      tpu.vector_store %arg12[%swap3A_38, %swap3A_39], %broadcast_in_dim3A_37 {strides = array<i32>} : memref<2000x128xi16, #tpu.memory_space<vmem>>, vector<2000x128xi16>,
      %scan3A_41 = arith.constant 1 : i16
      %scan3A_42 = arith.constant 0 : i16
      %scan3A_43 = arith.constant 0 : i32
      %scan3A_44 = arith.constant 25 : i32
      %scan3A_45 = arith.addi %scan3A_43, %scan3A_44 : i32
      %scan3A_46 = arith.constant 1 : i32
      scf.for %scan3A_86 = %scan3A_43 to %scan3A_45 step %scan3A_46  : i32 {
        %mul3A = arith.constant 2000 : i32
        %mul3A_87 = arith.muli %scan3A_86, %mul3A : i32
        %get3A_88 = arith.index_cast %mul3A_87 : i32 to index
        %get3A_89 = arith.constant 0 : index
        %get3A_90 = vector.load %arg11[%get3A_88, %get3A_89] : memref<50000x128xi16, #tpu.memory_space<vmem>>, vector<2000x128xi16>
        %get3A_91 = arith.constant 0 : index
        %get3A_92 = arith.constant 0 : index
        %get3A_93 = vector.load %arg12[%get3A_91, %get3A_92] : memref<2000x128xi16, #tpu.memory_space<vmem>>, vector<2000x128xi16>
        %lt3A = vector.broadcast %convert_element_type3A_33 : vector<1x128xi16> to vector<2000x128xi16>
        %lt3A_94 = arith.cmpi slt, %get3A_90, %lt3A : vector<2000x128xi16>
        %broadcast_in_dim3A_95 = vector.broadcast %scan3A_41 : i16 to vector<2000x128xi16>
        %broadcast_in_dim3A_96 = vector.broadcast %scan3A_42 : i16 to vector<2000x128xi16>
        %select_n3A = arith.select %lt3A_94, %broadcast_in_dim3A_95, %broadcast_in_dim3A_96 : vector<2000x128xi1>, vector<2000x128xi16>
        %add3A_97 = arith.addi %get3A_93, %select_n3A : vector<2000x128xi16>
        %swap3A_98 = arith.constant 0 : index
        %swap3A_99 = arith.constant 0 : index
        %swap3A_100 = vector.load %arg12[%swap3A_98, %swap3A_99] : memref<2000x128xi16, #tpu.memory_space<vmem>>, vector<2000x128xi16>
        tpu.vector_store %arg12[%swap3A_98, %swap3A_99], %add3A_97 {strides = array<i32>} : memref<2000x128xi16, #tpu.memory_space<vmem>>, vector<2000x128xi16>,
      }
      %scan3A_47 = arith.constant 25 : i32
      %get3A = arith.constant 0 : index
      %get3A_48 = arith.constant 0 : index
      %get3A_49 = vector.load %arg12[%get3A, %get3A_48] : memref<2000x128xi16, #tpu.memory_space<vmem>>, vector<2000x128xi16>
      %convert_element_type3A_50 = arith.sitofp %get3A_49 : vector<2000x128xi16> to vector<2000x128xbf16>
      %dot_general3A = arith.constant dense<0.000000e+00> : vector<1x128xf32>
      %dot_general3A_51 = tpu.matmul %broadcast_in_dim3A_22, %convert_element_type3A_50, %dot_general3A {dimension_numbers = #tpu.dot_dimension_numbers<[1], [0], [0], [1], [0, 0, 1, 1], [], []>, transpose_lhs_hint = false} : vector<1x2000xbf16>, vector<2000x128xbf16>, vector<1x128xf32> -> vector<1x128xf32>
      %broadcast_in_dim3A_52 = arith.constant 0 : i16
      %broadcast_in_dim3A_53 = vector.broadcast %broadcast_in_dim3A_52 : i16 to vector<2000x128xi16>
      %swap3A_54 = arith.constant 0 : index
      %swap3A_55 = arith.constant 0 : index
      %swap3A_56 = vector.load %arg12[%swap3A_54, %swap3A_55] : memref<2000x128xi16, #tpu.memory_space<vmem>>, vector<2000x128xi16>
      tpu.vector_store %arg12[%swap3A_54, %swap3A_55], %broadcast_in_dim3A_53 {strides = array<i32>} : memref<2000x128xi16, #tpu.memory_space<vmem>>, vector<2000x128xi16>,
      %scan3A_57 = arith.constant 1 : i16
      %scan3A_58 = arith.constant 0 : i16
      %scan3A_59 = arith.constant 0 : i32
      %scan3A_60 = arith.constant 25 : i32
      %scan3A_61 = arith.addi %scan3A_59, %scan3A_60 : i32
      %scan3A_62 = arith.constant 1 : i32
      scf.for %scan3A_86 = %scan3A_59 to %scan3A_61 step %scan3A_62  : i32 {
        %mul3A = arith.constant 2000 : i32
        %mul3A_87 = arith.muli %scan3A_86, %mul3A : i32
        %get3A_88 = arith.index_cast %mul3A_87 : i32 to index
        %get3A_89 = arith.constant 0 : index
        %get3A_90 = vector.load %arg11[%get3A_88, %get3A_89] : memref<50000x128xi16, #tpu.memory_space<vmem>>, vector<2000x128xi16>
        %get3A_91 = arith.constant 0 : index
        %get3A_92 = arith.constant 0 : index
        %get3A_93 = vector.load %arg12[%get3A_91, %get3A_92] : memref<2000x128xi16, #tpu.memory_space<vmem>>, vector<2000x128xi16>
        %eq3A_94 = vector.broadcast %convert_element_type3A_33 : vector<1x128xi16> to vector<2000x128xi16>
        %eq3A_95 = arith.cmpi eq, %get3A_90, %eq3A_94 : vector<2000x128xi16>
        %broadcast_in_dim3A_96 = vector.broadcast %scan3A_57 : i16 to vector<2000x128xi16>
        %broadcast_in_dim3A_97 = vector.broadcast %scan3A_58 : i16 to vector<2000x128xi16>
        %select_n3A = arith.select %eq3A_95, %broadcast_in_dim3A_96, %broadcast_in_dim3A_97 : vector<2000x128xi1>, vector<2000x128xi16>
        %add3A_98 = arith.addi %get3A_93, %select_n3A : vector<2000x128xi16>
        %swap3A_99 = arith.constant 0 : index
        %swap3A_100 = arith.constant 0 : index
        %swap3A_101 = vector.load %arg12[%swap3A_99, %swap3A_100] : memref<2000x128xi16, #tpu.memory_space<vmem>>, vector<2000x128xi16>
        tpu.vector_store %arg12[%swap3A_99, %swap3A_100], %add3A_98 {strides = array<i32>} : memref<2000x128xi16, #tpu.memory_space<vmem>>, vector<2000x128xi16>,
      }
      %scan3A_63 = arith.constant 25 : i32
      %get3A_64 = arith.constant 0 : index
      %get3A_65 = arith.constant 0 : index
      %get3A_66 = vector.load %arg12[%get3A_64, %get3A_65] : memref<2000x128xi16, #tpu.memory_space<vmem>>, vector<2000x128xi16>
      %convert_element_type3A_67 = arith.sitofp %get3A_66 : vector<2000x128xi16> to vector<2000x128xbf16>
      %dot_general3A_68 = arith.constant dense<0.000000e+00> : vector<1x128xf32>
      %dot_general3A_69 = tpu.matmul %broadcast_in_dim3A_22, %convert_element_type3A_67, %dot_general3A_68 {dimension_numbers = #tpu.dot_dimension_numbers<[1], [0], [0], [1], [0, 0, 1, 1], [], []>, transpose_lhs_hint = false} : vector<1x2000xbf16>, vector<2000x128xbf16>, vector<1x128xf32> -> vector<1x128xf32>
      %slice3A = vector.extract_strided_slice %dot_general3A_51 {offsets = [0, 0], sizes = [1, 64], strides = [1, 1]} : vector<1x128xf32> to vector<1x64xf32>
      %slice3A_70 = vector.extract_strided_slice %dot_general3A_51 {offsets = [0, 64], sizes = [1, 64], strides = [1, 1]} : vector<1x128xf32> to vector<1x64xf32>
      %add3A = arith.addf %slice3A, %slice3A_70 : vector<1x64xf32>
      %slice3A_71 = vector.extract_strided_slice %dot_general3A_69 {offsets = [0, 0], sizes = [1, 64], strides = [1, 1]} : vector<1x128xf32> to vector<1x64xf32>
      %slice3A_72 = vector.extract_strided_slice %dot_general3A_69 {offsets = [0, 64], sizes = [1, 64], strides = [1, 1]} : vector<1x128xf32> to vector<1x64xf32>
      %add3A_73 = arith.addf %slice3A_71, %slice3A_72 : vector<1x64xf32>
      %sub3A = arith.constant 1.500000e+04 : f32
      %sub3A_74 = vector.broadcast %sub3A : f32 to vector<1x64xf32>
      %sub3A_75 = arith.subf %sub3A_74, %add3A : vector<1x64xf32>
      %max3A = arith.constant 1.000000e+00 : f32
      %max3A_76 = vector.broadcast %max3A : f32 to vector<1x64xf32>
      %max3A_77 = arith.maximumf %add3A_73, %max3A_76 : vector<1x64xf32>
      %div3A = arith.divf %sub3A_75, %max3A_77 : vector<1x64xf32>
      %concatenate3A = tpu.concatenate %div3A, %div3A in 1 : vector<1x64xf32>, vector<1x64xf32> -> vector<1x128xf32>
      %swap3A_78 = arith.constant 0 : index
      %swap3A_79 = arith.constant 0 : index
      %swap3A_80 = vector.load %arg10[%swap3A_78, %swap3A_79] : memref<1x128xf32, #tpu.memory_space<vmem>>, vector<1x128xf32>
      tpu.vector_store %arg10[%swap3A_78, %swap3A_79], %concatenate3A {strides = array<i32>} : memref<1x128xf32, #tpu.memory_space<vmem>>, vector<1x128xf32>,
      %broadcast_in_dim3A_81 = arith.constant 0.000000e+00 : f32
      %broadcast_in_dim3A_82 = vector.broadcast %broadcast_in_dim3A_81 : f32 to vector<128x64xf32>
      %swap3A_83 = arith.constant 0 : index
      %swap3A_84 = arith.constant 0 : index
      %swap3A_85 = vector.load %arg7[%swap3A_83, %swap3A_84] : memref<128x64xf32, #tpu.memory_space<vmem>>, vector<128x64xf32>
      tpu.vector_store %arg7[%swap3A_83, %swap3A_84], %broadcast_in_dim3A_82 {strides = array<i32>} : memref<128x64xf32, #tpu.memory_space<vmem>>, vector<128x64xf32>,
    } else {
    }
    %eq3A_17 = arith.constant 1 : i32
    %eq3A_18 = arith.cmpi eq, %arg0, %eq3A_17 : i32
    %convert_element_type3A_19 = arith.extui %eq3A_18 : i1 to i32
    %cond3A_20 = arith.constant 0 : i32
    %cond3A_21 = arith.cmpi ne, %convert_element_type3A_19, %cond3A_20 : i32
    scf.if %cond3A_21 {
      %mul3A = arith.constant 2000 : i32
      %mul3A_22 = arith.muli %arg1, %mul3A : i32
      %get3A = arith.index_cast %mul3A_22 : i32 to index
      %get3A_23 = arith.constant 0 : index
      %get3A_24 = vector.load %arg11[%get3A, %get3A_23] : memref<50000x128xi16, #tpu.memory_space<vmem>>, vector<2000x128xi16>
      %get3A_25 = arith.constant 0 : index
      %get3A_26 = arith.constant 0 : index
      %get3A_27 = vector.load %arg9[%get3A_25, %get3A_26] : memref<1x128xi16, #tpu.memory_space<vmem>>, vector<1x128xi16>
      %lt3A = vector.broadcast %get3A_27 : vector<1x128xi16> to vector<2000x128xi16>
      %lt3A_28 = arith.cmpi slt, %get3A_24, %lt3A : vector<2000x128xi16>
      %jit3A = arith.constant 1 : i16
      %jit3A_29 = arith.constant 0 : i16
      %broadcast_in_dim3A = vector.broadcast %jit3A : i16 to vector<2000x128xi16>
      %broadcast_in_dim3A_30 = vector.broadcast %jit3A_29 : i16 to vector<2000x128xi16>
      %select_n3A = arith.select %lt3A_28, %broadcast_in_dim3A, %broadcast_in_dim3A_30 : vector<2000x128xi1>, vector<2000x128xi16>
      %convert_element_type3A_31 = arith.sitofp %select_n3A : vector<2000x128xi16> to vector<2000x128xf32>
      %get3A_32 = arith.constant 0 : index
      %get3A_33 = arith.constant 0 : index
      %get3A_34 = vector.load %arg9[%get3A_32, %get3A_33] : memref<1x128xi16, #tpu.memory_space<vmem>>, vector<1x128xi16>
      %eq3A_35 = vector.broadcast %get3A_34 : vector<1x128xi16> to vector<2000x128xi16>
      %eq3A_36 = arith.cmpi eq, %get3A_24, %eq3A_35 : vector<2000x128xi16>
      %jit3A_37 = arith.constant 1 : i16
      %jit3A_38 = arith.constant 0 : i16
      %broadcast_in_dim3A_39 = vector.broadcast %jit3A_37 : i16 to vector<2000x128xi16>
      %broadcast_in_dim3A_40 = vector.broadcast %jit3A_38 : i16 to vector<2000x128xi16>
      %select_n3A_41 = arith.select %eq3A_36, %broadcast_in_dim3A_39, %broadcast_in_dim3A_40 : vector<2000x128xi1>, vector<2000x128xi16>
      %convert_element_type3A_42 = arith.sitofp %select_n3A_41 : vector<2000x128xi16> to vector<2000x128xf32>
      %get3A_43 = arith.constant 0 : index
      %get3A_44 = arith.constant 0 : index
      %get3A_45 = vector.load %arg10[%get3A_43, %get3A_44] : memref<1x128xf32, #tpu.memory_space<vmem>>, vector<1x128xf32>
      %mul3A_46 = vector.broadcast %get3A_45 : vector<1x128xf32> to vector<2000x128xf32>
      %mul3A_47 = arith.mulf %mul3A_46, %convert_element_type3A_42 : vector<2000x128xf32>
      %add3A = arith.addf %convert_element_type3A_31, %mul3A_47 : vector<2000x128xf32>
      %slice3A = vector.extract_strided_slice %add3A {offsets = [0, 0], sizes = [2000, 64], strides = [1, 1]} : vector<2000x128xf32> to vector<2000x64xf32>
      %slice3A_48 = vector.extract_strided_slice %add3A {offsets = [0, 64], sizes = [2000, 64], strides = [1, 1]} : vector<2000x128xf32> to vector<2000x64xf32>
      %concatenate3A = tpu.concatenate %slice3A, %slice3A_48 in 0 : vector<2000x64xf32>, vector<2000x64xf32> -> vector<4000x64xf32>
      %get3A_49 = arith.constant 0 : index
      %get3A_50 = arith.constant 0 : index
      %get3A_51 = vector.load %arg7[%get3A_49, %get3A_50] : memref<128x64xf32, #tpu.memory_space<vmem>>, vector<128x64xf32>
      %get3A_52 = arith.constant 0 : index
      %get3A_53 = arith.constant 0 : index
      %get3A_54 = vector.load %arg6[%get3A_52, %get3A_53] : memref<4000x128xf32, #tpu.memory_space<vmem>>, vector<4000x128xf32>
      %dot_general3A = arith.constant dense<0.000000e+00> : vector<128x64xf32>
      %dot_general3A_55 = tpu.matmul %get3A_54, %concatenate3A, %dot_general3A {dimension_numbers = #tpu.dot_dimension_numbers<[0], [0], [1], [1], [0, 1, 1, 1], [], []>, transpose_lhs_hint = false} : vector<4000x128xf32>, vector<4000x64xf32>, vector<128x64xf32> -> vector<128x64xf32>
      %add3A_56 = arith.addf %get3A_51, %dot_general3A_55 : vector<128x64xf32>
      %swap3A = arith.constant 0 : index
      %swap3A_57 = arith.constant 0 : index
      %swap3A_58 = vector.load %arg7[%swap3A, %swap3A_57] : memref<128x64xf32, #tpu.memory_space<vmem>>, vector<128x64xf32>
      tpu.vector_store %arg7[%swap3A, %swap3A_57], %add3A_56 {strides = array<i32>} : memref<128x64xf32, #tpu.memory_space<vmem>>, vector<128x64xf32>,
    } else {
    }
    return
  }
  func.func @transform_0(%arg0: i32, %arg1: i32) -> (i32, i32) {
    %c0_i32 = arith.constant 0 : i32
    %c0_i32_0 = arith.constant 0 : i32
    %c0_i32_1 = arith.constant 0 : i32
    return %c0_i32, %c0_i32_0 : i32, i32
  }
  func.func @transform_1(%arg0: i32, %arg1: i32) -> (i32, i32) {
    %c0_i32 = arith.constant 0 : i32
    %c0_i32_0 = arith.constant 0 : i32
    %c0_i32_1 = arith.constant 0 : i32
    return %c0_i32, %c0_i32_0 : i32, i32
  }
  func.func @transform_2(%arg0: i32, %arg1: i32) -> (i32, i32) {
    %c0_i32 = arith.constant 0 : i32
    %c0_i32_0 = arith.constant 0 : i32
    %c0_i32_1 = arith.constant 0 : i32
    return %c0_i32, %c0_i32_0 : i32, i32
  }
  func.func @transform_3(%arg0: i32, %arg1: i32) -> (i32, i32) {
    %c0_i32 = arith.constant 0 : i32
    %c0_i32_0 = arith.constant 0 : i32
    %c0_i32_1 = arith.constant 0 : i32
    return %c0_i32, %c0_i32_0 : i32, i32
  }
  func.func @transform_4(%arg0: i32, %arg1: i32) -> (i32, i32) {
    %c0_i32 = arith.constant 0 : i32
    %c0_i32_0 = arith.constant 0 : i32
    return %arg1, %c0_i32 : i32, i32
  }
  func.func @transform_5(%arg0: i32, %arg1: i32) -> (i32, i32) {
    %c0_i32 = arith.constant 0 : i32
    %c0_i32_0 = arith.constant 0 : i32
    %c0_i32_1 = arith.constant 0 : i32
    return %c0_i32, %c0_i32_0 : i32, i32
  }
}

module attributes {stable_mosaic.version = 14 : i64} {
  func.func @_combine_kernel(%arg0: memref<128x64xf32, #tpu.memory_space<vmem>>, %arg1: memref<128x128xf32, #tpu.memory_space<vmem>>, %arg2: memref<128x1xf32, #tpu.memory_space<vmem>>, %arg3: memref<128x64xf32, #tpu.memory_space<vmem>>, %arg4: memref<1x64xf32, #tpu.memory_space<vmem>>) attributes {dimension_semantics = [], scalar_prefetch = 0 : i64, scratch_operands = 0 : i64, tpu.core_type = #tpu.core_type<tc>} {
    %get3A = arith.constant 0 : index
    %get3A_0 = arith.constant 0 : index
    %get3A_1 = vector.load %arg1[%get3A, %get3A_0] : memref<128x128xf32, #tpu.memory_space<vmem>>, vector<128x128xf32>
    %get3A_2 = arith.constant 0 : index
    %get3A_3 = arith.constant 0 : index
    %get3A_4 = vector.load %arg3[%get3A_2, %get3A_3] : memref<128x64xf32, #tpu.memory_space<vmem>>, vector<128x64xf32>
    %dot_general3A = arith.constant dense<0.000000e+00> : vector<128x64xf32>
    %dot_general3A_5 = tpu.matmul %get3A_1, %get3A_4, %dot_general3A {dimension_numbers = #tpu.dot_dimension_numbers<[1], [0], [0], [1], [0, 0, 1, 1], [], []>, transpose_lhs_hint = false} : vector<128x128xf32>, vector<128x64xf32>, vector<128x64xf32> -> vector<128x64xf32>
    %get3A_6 = arith.constant 0 : index
    %get3A_7 = arith.constant 0 : index
    %get3A_8 = vector.load %arg0[%get3A_6, %get3A_7] : memref<128x64xf32, #tpu.memory_space<vmem>>, vector<128x64xf32>
    %mul3A = arith.constant 6.66666674E-5 : f32
    %mul3A_9 = vector.broadcast %mul3A : f32 to vector<128x64xf32>
    %mul3A_10 = arith.mulf %dot_general3A_5, %mul3A_9 : vector<128x64xf32>
    %get3A_11 = arith.constant 0 : index
    %get3A_12 = arith.constant 0 : index
    %get3A_13 = vector.load %arg2[%get3A_11, %get3A_12] : memref<128x1xf32, #tpu.memory_space<vmem>>, vector<128x1xf32>
    %add3A = vector.broadcast %get3A_13 : vector<128x1xf32> to vector<128x64xf32>
    %add3A_14 = arith.addf %mul3A_10, %add3A : vector<128x64xf32>
    %mul3A_15 = arith.mulf %get3A_8, %add3A_14 : vector<128x64xf32>
    %reduce_sum3A = arith.constant dense<0.000000e+00> : vector<64xf32>
    %reduce_sum3A_16 = vector.multi_reduction <add>, %mul3A_15, %reduce_sum3A [0] : vector<128x64xf32> to vector<64xf32>
    %broadcast_in_dim3A = vector.shape_cast %reduce_sum3A_16 : vector<64xf32> to vector<1x64xf32>
    %swap3A = arith.constant 0 : index
    %swap3A_17 = arith.constant 0 : index
    %swap3A_18 = vector.load %arg4[%swap3A, %swap3A_17] : memref<1x64xf32, #tpu.memory_space<vmem>>, vector<1x64xf32>
    tpu.vector_store %arg4[%swap3A, %swap3A_17], %broadcast_in_dim3A {strides = array<i32>} : memref<1x64xf32, #tpu.memory_space<vmem>>, vector<1x64xf32>,
    return
  }
}

</mosaic_0001>

<sc_bundles>
// kernel: kernel.5.cloned.1.call-start
scs
__scs_entry_jumppad:
0x0: {  	(pc) =	sbr.rel $0x88, $3  }
0x1: {  	(tag) =	ssettag $0x0;
	lr =	simm.s32 $0x1  }
0x2: {  	[smem:$0x3F9B] =	sst lr;
	_ =	strace $0xD0000000  }
0x3: {  	_ = 	snop  }
0x4: {  	_ = 	snop  }
0x5: {  	_ = 	snop  }
0x6: {  	_ = 	snop  }
0x7: {  	_ = 	snop  }
__scs_overlays_trampoline_lowered:
0x8: {  	[smem:$0x3FAA] =	sst s0  }
0x9: {  	[smem:$0x3FAB] =	sst s1  }
0xa: {  	[smem:$0x3FAC] =	sst s2  }
0xb: {  	[smem:$0x3FAD] =	sst s3  }
0xc: {  	[smem:$0x3FAE] =	sst s4  }
0xd: {  	[smem:$0x3FAF] =	sst s5  }
0xe: {  	[smem:$0x3FB0] =	sst s6  }
0xf: {  	[smem:$0x3FB1] =	sst s7  }
0x10: {  	[smem:$0x3FB2] =	sst s8  }
0x11: {  	[smem:$0x3FB3] =	sst s9;
	s0 =	simm.s32 @!p0 $0x0  }
0x12: {  	s1 =	sld [smem:$0x3F99];
	s0 =	simm.s32 @p0 $0x1  }
0x13: {  	[smem:$0x3FB4] =	sst s0;
	s0 =	simm.s32 @!p1 $0x0  }
0x14: {  	s2 =	sld [smem:$0x3F98];
	s0 =	simm.s32 @p1 $0x1  }
0x15: {  	[smem:$0x3FB5] =	sst s0;
	s0 =	simm.s32 @!p2 $0x0  }
0x16: {  	s3 =	sld [smem:$0x3FDB];
	s0 =	simm.s32 @p2 $0x1  }
0x17: {  	s4 =	simm.s32 $0x1BF5;
	[smem:$0x3FB7] =	sst s0  }
0x18: {  	s0 =	sld [smem:$0x3F9A];
	_ =	swait.ge [sflag:s4], $0x0  }
0x19: {  	s7 =	sld [smem:$0x3F9B]  }
0x1a: {  	s8 =	sadd.s32 $0xFFFFE003, lr  }
0x1b: {  	s9 =	sadd.s32 $0xFFFFFEF7, lr;
	s5 =	simm.s32 $0xFFFFFFFF;
	p2 =	slt.u32 s8, $0xFFFFF086  }
0x1c: {  	p1 =	slt.u32 s9, $0xF7A;
	s5 =	simm.s32 @!p2 $0x0  }
0x1d: {  	s5 =	simm.s32 @p1 $0x1;
	p0 =	seq.s32 s7, s2  }
0x1e: {  	s7 =	smul.u32 @!p0 $0xF7A, s2;
	p2 =	seq.s32 @!p0 s5, $0x0  }
0x1f: {  	s9 =	smul.u32 $0xF7A, s1;
	s8 =	simm.s32 @!p0 $0x1BF5;
	p2 =	por !p2, p0  }
0x20: {  	[sflag:s8] =	ssyncset.s32 @!p0 $0xFFFFF086;
	s6 =	sadd.s32 @!p0 s3, s7;
	s7 =	simm.s32 @!p0 $0x108  }
0x21: {  	s3 =	sadd.s32 s3, s9;
	s6 =	sadd.s32 @!p0 $0x88, s6;
	s7 =	simm.s32 @p2 $0x1082  }
0x22: {  	[simem:s7], [sflag:s8] =	dma.local @!p0 [hbm:s6], $0xF7A  }
0x23: {  	s9 =	sor.u32 $0xD0000000, s2;
	s6 =	simm.s32 $0x108;
	_ =	swait.ge @!p0 [sflag:s8], $0x0  }
0x24: {  	s3 =	sadd.s32 $0x88, s3;
	s6 =	simm.s32 @!p1 $0x1082;
	[sflag:s4] =	ssyncset.s32 $0xFFFFF086  }
0x25: {  	[simem:s6], [sflag:s4] =	dma.local [hbm:s3], $0xF7A  }
0x26: {  	[smem:$0x3F9B] =	sst s1;
	(tag) =	ssettag s2;
	_ =	strace s9  }
0x27: {  	s1 =	sld [smem:$0x3FAB]  }
0x28: {  	s2 =	sld [smem:$0x3FAC]  }
0x29: {  	s4 =	sld [smem:$0x3FAE]  }
0x2a: {  	p0 =	seq.s32 s5, $0x0;
	s5 =	sld [smem:$0x3FAF]  }
0x2b: {  	s6 =	sld [smem:$0x3FB0]  }
0x2c: {  	s7 =	sld [smem:$0x3FB1]  }
0x2d: {  	s3 =	simm.s32 $0x108;
	s8 =	sld [smem:$0x3FB2]  }
0x2e: {  	s3 =	simm.s32 @!p0 $0x1082;
	s9 =	sld [smem:$0x3FB3]  }
0x2f: {  	lr =	sadd.s32 s0, s3;
	s0 =	sld [smem:$0x3FAA]  }
0x30: {  	s3 =	sld [smem:$0x3FAD]  }
0x31: {  	[smem:$0x3FB6] =	sst s10  }
0x32: {  	s10 =	sld [smem:$0x3FB4];
	_ =	sdelay $0x3  }
0x33: {  	p0 =	seq.s32 s10, $0x1;
	s10 =	sld [smem:$0x3FB6];
	_ =	sdelay $0x3  }
0x34: {  	[smem:$0x3FB6] =	sst s10  }
0x35: {  	s10 =	sld [smem:$0x3FB5];
	_ =	sdelay $0x3  }
0x36: {  	p1 =	seq.s32 s10, $0x1;
	s10 =	sld [smem:$0x3FB6];
	_ =	sdelay $0x3  }
0x37: {  	[smem:$0x3FB6] =	sst s10  }
0x38: {  	s10 =	sld [smem:$0x3FB7]  }
0x39: {  	_ = 	snop;
	(pc) =	sbr.ind lr, $3  }
0x3a: {  	_ = 	snop  }
0x3b: {  	_ = 	snop  }
0x3c: {  	p2 =	seq.s32 s10, $0x1;
	s10 =	sld [smem:$0x3FB6]  }
0x3d: {  	_ =	shalt  }
0x3e: {  	_ =	shalt  }
0x3f: {  	_ =	shalt  }
0x40: {  	_ =	shalt  }
0x41: {  	_ =	shalt  }
0x42: {  	_ =	shalt  }
0x43: {  	_ =	shalt  }
0x44: {  	_ =	shalt  }
0x45: {  	_ =	shalt  }
0x46: {  	_ =	shalt  }
0x47: {  	_ =	shalt  }
0x48: {  	_ =	shalt  }
0x49: {  	_ =	shalt  }
0x4a: {  	_ =	shalt  }
0x4b: {  	_ =	shalt  }
0x4c: {  	_ =	shalt  }
0x4d: {  	_ =	shalt  }
0x4e: {  	_ =	shalt  }
0x4f: {  	_ =	shalt  }
0x50: {  	_ =	shalt  }
0x51: {  	_ =	shalt  }
0x52: {  	_ =	shalt  }
0x53: {  	_ =	shalt  }
0x54: {  	_ =	shalt  }
0x55: {  	_ =	shalt  }
0x56: {  	_ =	shalt  }
0x57: {  	_ =	shalt  }
0x58: {  	_ =	shalt  }
0x59: {  	_ =	shalt  }
0x5a: {  	_ =	shalt  }
0x5b: {  	_ =	shalt  }
0x5c: {  	_ =	shalt  }
0x5d: {  	_ =	shalt  }
0x5e: {  	_ =	shalt  }
0x5f: {  	_ =	shalt  }
0x60: {  	_ =	shalt  }
0x61: {  	_ =	shalt  }
0x62: {  	_ =	shalt  }
0x63: {  	_ =	shalt  }
0x64: {  	_ =	shalt  }
0x65: {  	_ =	shalt  }
0x66: {  	_ =	shalt  }
0x67: {  	_ =	shalt  }
0x68: {  	_ =	shalt  }
0x69: {  	_ =	shalt  }
0x6a: {  	_ =	shalt  }
0x6b: {  	_ =	shalt  }
0x6c: {  	_ =	shalt  }
0x6d: {  	_ =	shalt  }
0x6e: {  	_ =	shalt  }
0x6f: {  	_ =	shalt  }
0x70: {  	_ =	shalt  }
0x71: {  	_ =	shalt  }
0x72: {  	_ =	shalt  }
0x73: {  	_ =	shalt  }
0x74: {  	_ =	shalt  }
0x75: {  	_ =	shalt  }
0x76: {  	_ =	shalt  }
0x77: {  	_ =	shalt  }
0x78: {  	_ =	shalt  }
0x79: {  	_ =	shalt  }
0x7a: {  	_ =	shalt  }
0x7b: {  	_ =	shalt  }
0x7c: {  	_ =	shalt  }
0x7d: {  	_ =	shalt  }
0x7e: {  	_ =	shalt  }
0x7f: {  	_ =	shalt  }
0x80: {  	_ =	shalt  }
0x81: {  	_ =	shalt  }
0x82: {  	_ =	shalt  }
0x83: {  	_ =	shalt  }
0x84: {  	_ =	shalt  }
0x85: {  	_ =	shalt  }
0x86: {  	_ =	shalt  }
0x87: {  	_ =	shalt  }
.Lfunc_end0:
.L_simem_size_0:
called_computation_lowered:
.L_overlay_start_0:
0x88: {  	s2 =	sld [smem:$0x3FD9]  }
0x89: {  	s3 =	sld [smem:$0x3FFE];
	_ =	sdelay $0x1  }
0x8a: {  	s1 =	srdreg.scid  }
0x8b: {  	s0 =	sand.u32 $0x1, s1  }
0x8c: {  	s17 =	sshll.u32 s0, $0xA;
	s2 =	sadd.s32 s3, s2  }
0x8d: {  	s2 =	sadd.s32 s2, s17  }
0x8e: {  	[smem:$0x3FC2] =	sst s2  }
0x8f: {  	_ = 	snop  }
0x90: {  	s2 =	sld [smem:$0x3FC7]  }
0x91: {  	s18 =	sld [smem:$0x3FD0];
	(tm) =	ssettm $0x1  }
0x92: {  	s4 =	sld [smem:$0x3FFB];
	_ =	sdelay $0x3  }
0x93: {  	_ =	strace s4  }
0x94: {  	s4 =	sld [smem:$0x3FFC];
	_ =	sdelay $0x3  }
0x95: {  	_ =	strace s4  }
0x96: {  	s4 =	sld [smem:$0x3FFD];
	_ =	sdelay $0x3  }
0x97: {  	_ =	strace s4  }
0x98: {  	_ =	strace $0x8FFFFFFF  }
0x99: {  	s19 =	sld [smem:$0x3FDB];
	_ =	sdelay $0x1  }
0x9a: {  	s5 =	simm.s32 $_scs_section_size  }
0x9b: {  	s6 =	simm.s32 $_size__tile_overlayer_lowered;
	s7 =	simm.s32 $_tile_overlayer_lowered  }
0x9c: {  	s22 =	simm.s32 $0x1BFF;
	s21 =	sshll.u32 s7, $0x1;
	s4 =	sadd.s32 s5, s19  }
0x9d: {  	s8 =	simm.s32 $0x0;
	s20 =	sshll.u32 s6, $0x1;
	s6 =	sadd.s32 s21, s4  }
0x9e: {  	[timem:s8], [sflag:s22] =	dma.local [hbm:s6], s20  }
0x9f: {  	_ =	swait.ge [sflag:s22], s20  }
0xa0: {  	s5 =	ssub.s32 $0x0, s20;
	[sflag:s22] =	ssyncset.done $0x0  }
0xa1: {  	[sflag:s22] =	ssyncadd.s32 s5;
	_ =	sdelay $0x1  }
0xa2: {  	s23 =	simm.s32 $0x1B8B  }
0xa3: {  	_ =	swait.ge [sflag:s23], $0x1  }
0xa4: {  	[sflag:s23] =	ssyncset.done $0x0  }
0xa5: {  	s25 =	simm.s32 $0x1B8E;
	s24 =	sld [smem:$0x3FFE];
	[sflag:s23] =	ssyncadd.s32 $0xFFFFFFFF  }
0xa6: {  	s26 =	simm.s32 $execute0_lowered;
	[smem:$0x3FD2] =	sst s25  }
0xa7: {  	s6 =	sshll.u32 s26, $0x1;
	_ =	strace $0x80000046;
	[dreg:$0x1] =	wrdreg $0xFFFFFFFF  }
0xa8: {  	s28 =	simm.s32 $_size_execute0_lowered;
	s4 =	sadd.s32 s4, s6;
	[dreg:$0x0] =	wrdreg $0x0  }
0xa9: {  	s6 =	sshll.u32 s28, $0x1;
	[dreg:$0x2] =	wrdreg s4  }
0xaa: {  	[dreg:$0x3] =	wrdreg s6  }
0xab: {  	[dreg:$0x4] =	wrdreg $0xC0  }
0xac: {  	_ =	task [dreg:s8], $0x5FFFF  }
0xad: {  	[dreg:$0x1] =	wrdreg $0xFFFFFFFF  }
0xae: {  	[dreg:$0x0] =	wrdreg $0x60  }
0xaf: {  	[dreg:$0x2] =	wrdreg s2  }
0xb0: {  	[dreg:$0x3] =	wrdreg s18  }
0xb1: {  	[dreg:$0x4] =	wrdreg s24  }
0xb2: {  	[dreg:$0x5] =	wrdreg $0x9  }
0xb3: {  	_ =	task.clear_ibuf [dreg:s8], $0x6FFFF;
	_ =	strace $0x90000046  }
0xb4: {  	s29 =	simm.s32 $0x9;
	_ =	strace $0x8000004F  }
0xb5: {  	_ =	swait.ge [sflag:s29], $0x1  }
0xb6: {  	[sflag:s29] =	ssyncadd.s32 $0xFFFFFFFF  }
0xb7: {  	_ =	strace $0x9000004F  }
0xb8: {  	_ =	sfence  }
0xb9: {  	s30 =	sld [smem:$0x0];
	_ =	sdelay $0x2  }
0xba: {  	s31 =	sshll.u32 s1, $0xD;
	s1 =	sshrl.u32 s1, $0x2  }
0xbb: {  	s3 =	sand.u32 $0x4000, s31;
	s1 =	sadd.s32 s1, s30  }
0xbc: {  	s0 =	sor.u32 s3, s0;
	s1 =	sshll.u32 s1, $0x11  }
0xbd: {  	s0 =	sor.u32 s1, s0  }
0xbe: {  	s0 =	sadd.s32 $0x8F2B, s0  }
0xbf: {  	[sflag:s0] =	ssyncadd.remote.s32 $0x1  }
0xc0: {  	_ =	sfence.sel $0xFFFF  }
0xc1: {  	[dreg:$0x0] =	wrdreg $0xFFFFFFFF;
	(pc) =	sbr.abs _section_cstart, $3  }
0xc2: {  	[dreg:$0x1] =	wrdreg $0xFFFFFFFF  }
0xc3: {  	_ =	task.clear_ibuf [dreg:s8], $0x2FFFF;
	_ =	strace $0x9FFFFFFF  }
0xc4: {  	(tm) =	ssettm $0x7FFFFFFF  }
0xc5: {  	_ =	shalt  }
tec
execute0_lowered:
.L_overlay_start_1:
0x0: {  	(tag) =	ssettag $0x1  }
0x1: {  	s4 =	stileid.u32  }
0x2: {  	p0 =	sne.s32 s4, $0x0  }
.Ltmp0:
0x3: {  	s1 =	rddreg [dreg:$0x0];
	(pc) =	sbr.rel @p0 .LBB2_4-.Ltmp0, $4  }
0x4: {  	s2 =	rddreg [dreg:$0x1]  }
0x5: {  	s8 =	rddreg [dreg:$0x2];
	s3 =	simm.s32 $0x0  }
0x6: {  	[smem:$0x7FF] =	sst s3  }
0x7: {  	s0 =	rddreg [dreg:$0x3];
	_ =	strace $0x80000047  }
0x8: {  	_ =	strace $0x80000048  }
0x9: {  	[tilespmem:s3], [sflag:$0x1] =	stream.linear.gather [hbm4b:s2+s3], $0x80, $0x200038;
	[tilespmem:$0x8100] =	vst v63  }
0xa: {  	_ =	strace $0x90000048  }
0xb: {  	s4 =	simm.s32 $0x1;
	_ =	strace $0x8000004A  }
0xc: {  	_ =	swait.ge [sflag:s4], $0x80  }
0xd: {  	[sflag:s4] =	ssyncset.done $0x0  }
0xe: {  	s5 =	simm.s32 $0x80;
	[sflag:s4] =	ssyncadd.s32 $0xFFFFFF80  }
0xf: {  	s6 =	simm.s32 $0x100;
	s9 =	srdreg.scid;
	_ =	strace $0x9000004A  }
0x10: {  	s7 =	simm.s32 $0x5;
	s9 =	sand.u32 $0x1, s9;
	_ =	strace $0x8000004B  }
0x11: {  	[tilespmem:s6], [sflag:$0x5] =	stream.indirect.gather [hbm4b:s1+s5], $0x80, s3, s5, $0x2000b8;
	[tilespmem:$0x8100] =	vst v63  }
0x12: {  	s9 =	ssub.s32 $0x2, s9;
	_ =	swait.ge [sflag:s7], $0x4000  }
0x13: {  	s10 =	sshrl.u32 s9, $0x1;
	[sflag:s7] =	ssyncset.done $0x0  }
0x14: {  	s10 =	ssub.s32 s9, s10;
	[sflag:s7] =	ssyncadd.s32 $0xFFFFC000  }
0x15: {  	s10 =	smax.u32 s10, $0x1;
	_ =	strace $0x9000004B  }
0x16: {  	s8 =	sadd.s32 $0x200, s8;
	p1 =	sne.s32 s10, $0x1;
	_ =	strace $0x8000004C  }
0x17: {  	[hbm4b:s8+s3] =	stream.linear.scatter [tilespmem:s6], [sflag:$0x3], $0x4000, $0x200038;
	[tilespmem:$0x8100] =	vst v63  }
.Ltmp1:
0x18: {  	_ =	strace $0x9000004C;
	(pc) =	sbr.rel @!p1 .LBB2_3-.Ltmp1, $4  }
0x19: {  	s9 =	simm.s32 $0x3;
	_ =	strace $0x8000004E  }
0x1a: {  	_ =	swait.ge [sflag:s9], $0x4000  }
0x1b: {  	[sflag:s9] =	ssyncset.done $0x0  }
0x1c: {  	s10 =	sadd.s32 $0xFFFFFFFF, s10;
	[sflag:s9] =	ssyncadd.s32 $0xFFFFC000  }
.LBB2_2:
0x1d: {  	p1 =	sne.s32 s10, $0x1;
	s10 =	sadd.s32 $0xFFFFFFFF, s10;
	_ =	strace $0x9000004E  }
0x1e: {  	_ =	strace $0x80000048  }
0x1f: {  	[tilespmem:s3], [sflag:$0x1] =	stream.linear.gather [hbm4b:s2+s3], $0x80, $0x200038;
	[tilespmem:$0x8100] =	vst v63  }
0x20: {  	_ =	strace $0x90000048  }
0x21: {  	_ =	strace $0x8000004A  }
0x22: {  	_ =	swait.ge [sflag:s4], $0x80  }
0x23: {  	[sflag:s4] =	ssyncset.done $0x0  }
0x24: {  	[sflag:s4] =	ssyncadd.s32 $0xFFFFFF80  }
0x25: {  	_ =	strace $0x9000004A  }
0x26: {  	_ =	strace $0x8000004B  }
0x27: {  	[tilespmem:s6], [sflag:$0x5] =	stream.indirect.gather [hbm4b:s1+s5], $0x80, s3, s5, $0x2000b8;
	[tilespmem:$0x8100] =	vst v63  }
0x28: {  	_ =	swait.ge [sflag:s7], $0x4000  }
0x29: {  	[sflag:s7] =	ssyncset.done $0x0  }
0x2a: {  	[sflag:s7] =	ssyncadd.s32 $0xFFFFC000  }
0x2b: {  	_ =	strace $0x9000004B  }
0x2c: {  	_ =	strace $0x8000004C  }
0x2d: {  	[hbm4b:s8+s3] =	stream.linear.scatter [tilespmem:s6], [sflag:$0x3], $0x4000, $0x200038;
	[tilespmem:$0x8100] =	vst v63  }
.Ltmp2:
0x2e: {  	_ =	strace $0x9000004C;
	(pc) =	sbr.rel @p1 .LBB2_2-.Ltmp2, $4  }
0x2f: {  	_ =	strace $0x8000004E  }
0x30: {  	_ =	swait.ge [sflag:s9], $0x4000  }
0x31: {  	[sflag:s9] =	ssyncset.done $0x0  }
0x32: {  	[sflag:s9] =	ssyncadd.s32 $0xFFFFC000  }
.LBB2_3:
0x33: {  	_ =	strace $0x9000004E  }
.LBB2_4:
0x34: {  	_ =	sfence.sel $0x180000  }
0x35: {  	[bflag:$0x0] =	sbarrier.arrive $0xFFFF  }
0x36: {  	_ =	strace $0x90000047  }
0x37: {  	s0 =	sadd.s32 @!p0 $0x100000, s0;
	[bflag:$0x2] =	sbarrier.arrive $0xFFFF  }
0x38: {  	[sflag:s0] =	ssyncadd.tile.s32 @!p0 $0x1;
	_ =	shalt  }
.Lfunc_end2:
_tile_overlayer_lowered:
.L_overlay_start_2:
0x39: {  	(tag) =	ssettag $0x2  }
0x3a: {  	s0 =	rddreg [dreg:$0x0];
	s2 =	stileid.u32  }
0x3b: {  	s1 =	rddreg [dreg:$0x1];
	p0 =	sne.s32 s2, $0x0  }
0x3c: {  	s3 =	rddreg [dreg:$0x2];
	[bflag:$0x3] =	sbarrier.arrive $0xFFFF;
	s2 =	simm.s32 @!p0 $0x1C01  }
0x3d: {  	[timem:s3], [sflag:s2] =	dma.local @!p0 [hbm:s0], s1  }
0x3e: {  	s0 =	simm.s32 @!p0 $0x1  }
0x3f: {  	_ =	swait.ge @!p0 [sflag:s0], s1  }
0x40: {  	s1 =	ssub.s32 @!p0 $0x0, s1;
	[sflag:s0] =	ssyncset.done @!p0 $0x0  }
0x41: {  	[sflag:s0] =	ssyncadd.s32 @!p0 s1  }
0x42: {  	[bflag:$0x3] =	sbarrier.arrive $0xFFFF  }
0x43: {  	_ =	shalt  }

</sc_bundles>
